<compile_context>
chip_gen: v7x
topology: tpu7x:2x2x1
jax: 0.10.2.dev20260603
libtpu: 0.0.44.dev20260713+nightly
codegen_flags: <defaults>
</compile_context>

<pallas_src>
import functools

import jax
import jax.numpy as jnp
from jax import lax
from jax.experimental import pallas as pl
from jax.experimental.pallas import tpu as pltpu
from jax.experimental.pallas import tpu_sc as plsc

VOCAB = 1000000
EMBED_DIM = 64
NUM_CORES = 2
NUM_SUBCORES = 16
NUM_WORKERS = NUM_CORES * NUM_SUBCORES
NBLK = VOCAB // 128
PACK_ROWS = VOCAB // 2


def _pack_call(table_t, tail_p):
    mesh = plsc.VectorSubcoreMesh(core_axis_name="c", subcore_axis_name="s")
    n_pairs = (NBLK // NUM_WORKERS + 2) // 2

    @functools.partial(
        pl.kernel,
        mesh=mesh,
        compiler_params=pltpu.CompilerParams(use_tc_tiling_on_sc=True, needs_layout_passes=False),
        out_type=jax.ShapeDtypeStruct((PACK_ROWS, 128), jnp.float32),
        scratch_types=[
            pltpu.VMEM((64, 137), jnp.float32),
            pltpu.VMEM((64, 137), jnp.float32),
            pltpu.VMEM((64, 128), jnp.float32),
            pltpu.VMEM((64, 128), jnp.float32),
            pltpu.VMEM((32, 128), jnp.float32),
            pltpu.SemaphoreType.DMA((2,)),
            pltpu.SemaphoreType.DMA((2,)),
            pltpu.SemaphoreType.DMA,
        ],
    )
    def k(tt_hbm, tail_hbm, p_hbm, in0, in1, st0, st1, tbuf, sem_in, sem_out,
          sem_t):
        wid = lax.axis_index("s") * NUM_CORES + lax.axis_index("c")
        ins = (in0, in1)
        sts = (st0, st1)
        lane = lax.iota(jnp.int32, 16)

        def start_in(blk, par):
            pltpu.async_copy(
                tt_hbm.at[:, pl.ds(blk * 128, 128)],
                ins[par].at[:, pl.ds(0, 128)],
                sem_in.at[par],
            )

        def start_out(blk, par):
            pltpu.async_copy(
                sts[par], p_hbm.at[pl.ds(blk * 64, 64)], sem_out.at[par]
            )

        def wait(sem, par, buf):
            pltpu.make_async_copy(
                tt_hbm.at[:, pl.ds(0, 128)], buf, sem.at[par]
            ).wait()

        @pl.when(wid == 0)
        def _():
            pltpu.async_copy(tail_hbm, tbuf, sem_t).wait()
            pltpu.async_copy(tbuf, p_hbm.at[pl.ds(NBLK * 64, 32)], sem_t).wait()

        start_in(wid, 0)
        start_in(wid + NUM_WORKERS, 1)

        def transpose_block(src, dst):
            @plsc.parallel_loop(0, 64, step=1, unroll=8)
            def _(i):
                for g in range(8):
                    rvec = lane + (g % 4) * 16
                    cvec = jnp.full((16,), 2 * i + (1 if g >= 4 else 0),
                                    jnp.int32)
                    dst[i, pl.ds(g * 16, 16)] = plsc.load_gather(
                        src, [rvec, cvec]
                    )

        def pair(kk, carry):
            for par in range(2):
                kstep = kk * 2 + par
                blk = wid + kstep * NUM_WORKERS

                @pl.when(blk < NBLK)
                def _():
                    wait(sem_in, par, ins[par].at[:, pl.ds(0, 128)])

                    @pl.when(kstep >= 2)
                    def _():
                        wait(sem_out, par, sts[par])

                    transpose_block(ins[par], sts[par])
                    start_out(blk, par)
                    nblk = blk + 2 * NUM_WORKERS

                    @pl.when(nblk < NBLK)
                    def _():
                        start_in(nblk, par)

            return carry

        lax.fori_loop(0, n_pairs, pair, 0)

        for par in range(2):
            blk = wid + par * NUM_WORKERS

            @pl.when(blk < NBLK)
            def _():
                wait(sem_out, par, sts[par])

    return k(table_t, tail_p)


def _gather_call(idx_t, packed):
    n_ctx = idx_t.shape[0]
    batch = idx_t.shape[1]
    mesh = plsc.VectorSubcoreMesh(core_axis_name="c", subcore_axis_name="s")

    @functools.partial(
        pl.kernel,
        mesh=mesh,
        compiler_params=pltpu.CompilerParams(use_tc_tiling_on_sc=True, needs_layout_passes=False),
        out_type=jax.ShapeDtypeStruct((n_ctx, EMBED_DIM, batch), jnp.float32),
        scratch_types=[
            pltpu.VMEM((n_ctx, 128), jnp.int32),
            pltpu.VMEM((2, 128), jnp.int32),
            pltpu.VMEM((2, 128), jnp.int32),
            pltpu.VMEM((128, 128), jnp.float32),
            pltpu.VMEM((128, 128), jnp.float32),
            pltpu.VMEM((64, 128), jnp.float32),
            pltpu.VMEM((64, 128), jnp.float32),
            pltpu.SemaphoreType.DMA((2,)),
            pltpu.SemaphoreType.DMA((2,)),
            pltpu.SemaphoreType.DMA,
        ],
    )
    def k(idx_hbm, p_hbm, out_hbm, idxv, ridx, cbase, r0, r1, s0, s1,
          sem_g, sem_o, sem_i):
        wid = lax.axis_index("s") * NUM_CORES + lax.axis_index("c")
        b0 = wid * 128
        rows = (r0, r1)
        sts = (s0, s1)
        lane = lax.iota(jnp.int32, 16)

        pltpu.async_copy(idx_hbm.at[:, pl.ds(b0, 128)], idxv, sem_i).wait()

        paired = packed.shape[0] != VOCAB

        def prep(t, par):
            for g in range(8):
                v = idxv[t, pl.ds(g * 16, 16)]
                if paired:
                    ridx[par, pl.ds(g * 16, 16)] = v >> 1
                    cbase[par, pl.ds(g * 16, 16)] = (v & 1) * 64
                else:
                    ridx[par, pl.ds(g * 16, 16)] = v
                    cbase[par, pl.ds(g * 16, 16)] = v - v

        def start_gather(par):
            pltpu.async_copy(
                p_hbm.at[ridx.at[par]], rows[par], sem_g.at[par]
            )

        def start_out(t, par):
            pltpu.async_copy(
                sts[par], out_hbm.at[t, :, pl.ds(b0, 128)], sem_o.at[par]
            )

        def wait(sem, par, buf):
            pltpu.make_async_copy(
                p_hbm.at[pl.ds(0, buf.shape[0])], buf, sem.at[par]
            ).wait()

        def extract(t, par):
            cb = [cbase[par, pl.ds(g * 16, 16)] for g in range(8)]

            @plsc.parallel_loop(0, EMBED_DIM, step=1, unroll=8)
            def _(d):
                for g in range(8):
                    rvec = lane + g * 16
                    sts[par][d, pl.ds(g * 16, 16)] = plsc.load_gather(
                        rows[par], [rvec, cb[g] + d]
                    )

        prep(0, 0)
        start_gather(0)

        def pair(kk, carry):
            for par in range(2):
                t = kk * 2 + par

                @pl.when(t < n_ctx)
                def _():
                    tn = t + 1

                    @pl.when(tn < n_ctx)
                    def _():
                        prep(tn, 1 - par)
                        start_gather(1 - par)

                    wait(sem_g, par, rows[par])

                    @pl.when(t >= 2)
                    def _():
                        wait(sem_o, par, sts[par])

                    extract(t, par)
                    start_out(t, par)

            return carry

        lax.fori_loop(0, (n_ctx + 1) // 2, pair, 0)

        for par in range(2):
            @pl.when(par < n_ctx)
            def _():
                wait(sem_o, par, sts[par])

    return k(idx_t, packed)


def kernel(indices, target_table):
    n_batch, n_ctx = indices.shape
    idx_t = indices.T
    padded = jnp.zeros((VOCAB, 128), jnp.float32).at[:, :EMBED_DIM].set(
        target_table
    )
    out_t = _gather_call(idx_t, padded)
    return out_t.transpose(2, 0, 1)

# --- scband reference (transcript-rebuilt; emitter-appended) ---
"""Pipeline reference for scband-word2-vec-embeddings-68015102099617 (READ-ONLY COPY).

The authoritative reference and input builder live on the scoring server;
editing this copy changes nothing except your own understanding.
"""

import jax, jax.numpy as jnp
import numpy as np

VOCAB_SIZE = 1000000
EMBED_DIM = 64

def setup_inputs(seed: int = 0) -> dict:
    key = jax.random.key(seed)
    k1, k2 = jax.random.split(key, 2)
    indices = jax.random.randint(k1, (4096, 50), 0, VOCAB_SIZE)
    # xavier_uniform init for the target embedding table
    limit = float(np.sqrt(6.0 / (VOCAB_SIZE + EMBED_DIM)))
    target_table = jax.random.uniform(k2, (VOCAB_SIZE, EMBED_DIM), minval=-limit, maxval=limit, dtype=jnp.float32)
    return {"indices": indices, "target_table": target_table}

def reference(indices, target_table):
    # Embedding lookup on the target (input) embedding table:
    # equivalent to self.target_embeddings(indices) in torch.
    return jnp.take(target_table, indices, axis=0)

if __name__ == "__main__":
    import jax
    _d = setup_inputs()
    print(jax.jit(kernel)(*tuple(_d.values())))

</pallas_src>

<mosaic_0001>
#map = affine_map<(d0, d1) -> (0, 0)>
#map1 = affine_map<(d0, d1) -> (0, 0, 0)>
module attributes {stable_mosaic.version = 14 : i64} {
  func.func @k(%arg0: i32, %arg1: i32, %arg2: memref<50x4096xi32, #tpu.memory_space<hbm>>, %arg3: memref<1000000x128xf32, #tpu.memory_space<hbm>>, %arg4: memref<50x64x4096xf32, #tpu.memory_space<hbm>>, %arg5: memref<50x128xi32, #tpu.memory_space<vmem>>, %arg6: memref<2x128xi32, #tpu.memory_space<vmem>>, %arg7: memref<2x128xi32, #tpu.memory_space<vmem>>, %arg8: memref<128x128xf32, #tpu.memory_space<vmem>>, %arg9: memref<128x128xf32, #tpu.memory_space<vmem>>, %arg10: memref<64x128xf32, #tpu.memory_space<vmem>>, %arg11: memref<64x128xf32, #tpu.memory_space<vmem>>, %arg12: memref<2x!tpu.dma_semaphore, #tpu.memory_space<semaphore_mem>>, %arg13: memref<2x!tpu.dma_semaphore, #tpu.memory_space<semaphore_mem>>, %arg14: memref<!tpu.dma_semaphore, #tpu.memory_space<semaphore_mem>>) attributes {dimension_semantics = [#tpu.dimension_semantics<core_parallel>, #tpu.dimension_semantics<subcore_parallel>], iteration_bounds = array<i64: 2, 16>, scalar_prefetch = 0 : i64, scratch_operands = 10 : i64, tpu.core_type = #tpu.core_type<sc_vector_subcore>, window_params = [{transform_indices = #map}, {transform_indices = #map}, {transform_indices = #map1}]} {
    %mul3A = arith.constant 2 : i32
    %mul3A_0 = arith.muli %arg1, %mul3A : i32
    %add3A = arith.addi %mul3A_0, %arg0 : i32
    %mul3A_1 = arith.constant 128 : i32
    %mul3A_2 = arith.muli %add3A, %mul3A_1 : i32
    %iota3A = tpu.iota {dimensions = array<i32: 0>} : vector<16xi32>
    %dma_start3A = arith.constant 0 : i32
    %dma_start3A_3 = tpu.memref_slice %arg2[%dma_start3A, %mul3A_2] : memref<50x4096xi32, #tpu.memory_space<hbm>> -> memref<50x128xi32, #tpu.memory_space<hbm>>
    %dma_start3A_4 = arith.constant 0 : i32
    %dma_start3A_5 = tpu.memref_slice %arg2[%dma_start3A_4, %mul3A_2] : memref<50x4096xi32, #tpu.memory_space<hbm>> -> memref<50x128xi32, #tpu.memory_space<hbm>>
    tpu.enqueue_dma source(%dma_start3A_5 : memref<50x128xi32, #tpu.memory_space<hbm>>) target(%arg5 : memref<50x128xi32, #tpu.memory_space<vmem>>) target_semaphore(%arg14 : memref<!tpu.dma_semaphore, #tpu.memory_space<semaphore_mem>>)
    %dma_wait3A = arith.constant 0 : i32
    %dma_wait3A_6 = tpu.memref_slice %arg2[%dma_wait3A, %mul3A_2] : memref<50x4096xi32, #tpu.memory_space<hbm>> -> memref<50x128xi32, #tpu.memory_space<hbm>>
    %dma_wait3A_7 = arith.constant 0 : i32
    %dma_wait3A_8 = tpu.memref_slice %arg2[%dma_wait3A_7, %mul3A_2] : memref<50x4096xi32, #tpu.memory_space<hbm>> -> memref<50x128xi32, #tpu.memory_space<hbm>>
    tpu.wait_dma2 semaphore(%arg14 : memref<!tpu.dma_semaphore, #tpu.memory_space<semaphore_mem>>) src(%dma_wait3A_8 : memref<50x128xi32, #tpu.memory_space<hbm>>) dst(%arg5 : memref<50x128xi32, #tpu.memory_space<vmem>>)
    %get3A = arith.constant 0 : i32
    %get3A_9 = arith.index_cast %get3A : i32 to index
    %get3A_10 = arith.constant 0 : index
    %get3A_11 = tpu.vector_load %arg5[%get3A_9, %get3A_10] {strides = array<i32>} : memref<50x128xi32, #tpu.memory_space<vmem>>, vector<16xi32>,
    %swap3A = arith.constant 0 : i32
    %swap3A_12 = arith.index_cast %swap3A : i32 to index
    %swap3A_13 = arith.constant 0 : index
    %swap3A_14 = tpu.vector_load %arg6[%swap3A_12, %swap3A_13] {strides = array<i32>} : memref<2x128xi32, #tpu.memory_space<vmem>>, vector<16xi32>,
    tpu.vector_store %arg6[%swap3A_12, %swap3A_13], %get3A_11 {strides = array<i32>} : memref<2x128xi32, #tpu.memory_space<vmem>>, vector<16xi32>,
    %sub3A = arith.subi %get3A_11, %get3A_11 : vector<16xi32>
    %swap3A_15 = arith.constant 0 : i32
    %swap3A_16 = arith.index_cast %swap3A_15 : i32 to index
    %swap3A_17 = arith.constant 0 : index
    %swap3A_18 = tpu.vector_load %arg7[%swap3A_16, %swap3A_17] {strides = array<i32>} : memref<2x128xi32, #tpu.memory_space<vmem>>, vector<16xi32>,
    tpu.vector_store %arg7[%swap3A_16, %swap3A_17], %sub3A {strides = array<i32>} : memref<2x128xi32, #tpu.memory_space<vmem>>, vector<16xi32>,
    %get3A_19 = arith.constant 0 : i32
    %get3A_20 = arith.index_cast %get3A_19 : i32 to index
    %get3A_21 = arith.constant 16 : index
    %get3A_22 = tpu.vector_load %arg5[%get3A_20, %get3A_21] {strides = array<i32>} : memref<50x128xi32, #tpu.memory_space<vmem>>, vector<16xi32>,
    %swap3A_23 = arith.constant 0 : i32
    %swap3A_24 = arith.index_cast %swap3A_23 : i32 to index
    %swap3A_25 = arith.constant 16 : index
    %swap3A_26 = tpu.vector_load %arg6[%swap3A_24, %swap3A_25] {strides = array<i32>} : memref<2x128xi32, #tpu.memory_space<vmem>>, vector<16xi32>,
    tpu.vector_store %arg6[%swap3A_24, %swap3A_25], %get3A_22 {strides = array<i32>} : memref<2x128xi32, #tpu.memory_space<vmem>>, vector<16xi32>,
    %sub3A_27 = arith.subi %get3A_22, %get3A_22 : vector<16xi32>
    %swap3A_28 = arith.constant 0 : i32
    %swap3A_29 = arith.index_cast %swap3A_28 : i32 to index
    %swap3A_30 = arith.constant 16 : index
    %swap3A_31 = tpu.vector_load %arg7[%swap3A_29, %swap3A_30] {strides = array<i32>} : memref<2x128xi32, #tpu.memory_space<vmem>>, vector<16xi32>,
    tpu.vector_store %arg7[%swap3A_29, %swap3A_30], %sub3A_27 {strides = array<i32>} : memref<2x128xi32, #tpu.memory_space<vmem>>, vector<16xi32>,
    %get3A_32 = arith.constant 0 : i32
    %get3A_33 = arith.index_cast %get3A_32 : i32 to index
    %get3A_34 = arith.constant 32 : index
    %get3A_35 = tpu.vector_load %arg5[%get3A_33, %get3A_34] {strides = array<i32>} : memref<50x128xi32, #tpu.memory_space<vmem>>, vector<16xi32>,
    %swap3A_36 = arith.constant 0 : i32
    %swap3A_37 = arith.index_cast %swap3A_36 : i32 to index
    %swap3A_38 = arith.constant 32 : index
    %swap3A_39 = tpu.vector_load %arg6[%swap3A_37, %swap3A_38] {strides = array<i32>} : memref<2x128xi32, #tpu.memory_space<vmem>>, vector<16xi32>,
    tpu.vector_store %arg6[%swap3A_37, %swap3A_38], %get3A_35 {strides = array<i32>} : memref<2x128xi32, #tpu.memory_space<vmem>>, vector<16xi32>,
    %sub3A_40 = arith.subi %get3A_35, %get3A_35 : vector<16xi32>
    %swap3A_41 = arith.constant 0 : i32
    %swap3A_42 = arith.index_cast %swap3A_41 : i32 to index
    %swap3A_43 = arith.constant 32 : index
    %swap3A_44 = tpu.vector_load %arg7[%swap3A_42, %swap3A_43] {strides = array<i32>} : memref<2x128xi32, #tpu.memory_space<vmem>>, vector<16xi32>,
    tpu.vector_store %arg7[%swap3A_42, %swap3A_43], %sub3A_40 {strides = array<i32>} : memref<2x128xi32, #tpu.memory_space<vmem>>, vector<16xi32>,
    %get3A_45 = arith.constant 0 : i32
    %get3A_46 = arith.index_cast %get3A_45 : i32 to index
    %get3A_47 = arith.constant 48 : index
    %get3A_48 = tpu.vector_load %arg5[%get3A_46, %get3A_47] {strides = array<i32>} : memref<50x128xi32, #tpu.memory_space<vmem>>, vector<16xi32>,
    %swap3A_49 = arith.constant 0 : i32
    %swap3A_50 = arith.index_cast %swap3A_49 : i32 to index
    %swap3A_51 = arith.constant 48 : index
    %swap3A_52 = tpu.vector_load %arg6[%swap3A_50, %swap3A_51] {strides = array<i32>} : memref<2x128xi32, #tpu.memory_space<vmem>>, vector<16xi32>,
    tpu.vector_store %arg6[%swap3A_50, %swap3A_51], %get3A_48 {strides = array<i32>} : memref<2x128xi32, #tpu.memory_space<vmem>>, vector<16xi32>,
    %sub3A_53 = arith.subi %get3A_48, %get3A_48 : vector<16xi32>
    %swap3A_54 = arith.constant 0 : i32
    %swap3A_55 = arith.index_cast %swap3A_54 : i32 to index
    %swap3A_56 = arith.constant 48 : index
    %swap3A_57 = tpu.vector_load %arg7[%swap3A_55, %swap3A_56] {strides = array<i32>} : memref<2x128xi32, #tpu.memory_space<vmem>>, vector<16xi32>,
    tpu.vector_store %arg7[%swap3A_55, %swap3A_56], %sub3A_53 {strides = array<i32>} : memref<2x128xi32, #tpu.memory_space<vmem>>, vector<16xi32>,
    %get3A_58 = arith.constant 0 : i32
    %get3A_59 = arith.index_cast %get3A_58 : i32 to index
    %get3A_60 = arith.constant 64 : index
    %get3A_61 = tpu.vector_load %arg5[%get3A_59, %get3A_60] {strides = array<i32>} : memref<50x128xi32, #tpu.memory_space<vmem>>, vector<16xi32>,
    %swap3A_62 = arith.constant 0 : i32
    %swap3A_63 = arith.index_cast %swap3A_62 : i32 to index
    %swap3A_64 = arith.constant 64 : index
    %swap3A_65 = tpu.vector_load %arg6[%swap3A_63, %swap3A_64] {strides = array<i32>} : memref<2x128xi32, #tpu.memory_space<vmem>>, vector<16xi32>,
    tpu.vector_store %arg6[%swap3A_63, %swap3A_64], %get3A_61 {strides = array<i32>} : memref<2x128xi32, #tpu.memory_space<vmem>>, vector<16xi32>,
    %sub3A_66 = arith.subi %get3A_61, %get3A_61 : vector<16xi32>
    %swap3A_67 = arith.constant 0 : i32
    %swap3A_68 = arith.index_cast %swap3A_67 : i32 to index
    %swap3A_69 = arith.constant 64 : index
    %swap3A_70 = tpu.vector_load %arg7[%swap3A_68, %swap3A_69] {strides = array<i32>} : memref<2x128xi32, #tpu.memory_space<vmem>>, vector<16xi32>,
    tpu.vector_store %arg7[%swap3A_68, %swap3A_69], %sub3A_66 {strides = array<i32>} : memref<2x128xi32, #tpu.memory_space<vmem>>, vector<16xi32>,
    %get3A_71 = arith.constant 0 : i32
    %get3A_72 = arith.index_cast %get3A_71 : i32 to index
    %get3A_73 = arith.constant 80 : index
    %get3A_74 = tpu.vector_load %arg5[%get3A_72, %get3A_73] {strides = array<i32>} : memref<50x128xi32, #tpu.memory_space<vmem>>, vector<16xi32>,
    %swap3A_75 = arith.constant 0 : i32
    %swap3A_76 = arith.index_cast %swap3A_75 : i32 to index
    %swap3A_77 = arith.constant 80 : index
    %swap3A_78 = tpu.vector_load %arg6[%swap3A_76, %swap3A_77] {strides = array<i32>} : memref<2x128xi32, #tpu.memory_space<vmem>>, vector<16xi32>,
    tpu.vector_store %arg6[%swap3A_76, %swap3A_77], %get3A_74 {strides = array<i32>} : memref<2x128xi32, #tpu.memory_space<vmem>>, vector<16xi32>,
    %sub3A_79 = arith.subi %get3A_74, %get3A_74 : vector<16xi32>
    %swap3A_80 = arith.constant 0 : i32
    %swap3A_81 = arith.index_cast %swap3A_80 : i32 to index
    %swap3A_82 = arith.constant 80 : index
    %swap3A_83 = tpu.vector_load %arg7[%swap3A_81, %swap3A_82] {strides = array<i32>} : memref<2x128xi32, #tpu.memory_space<vmem>>, vector<16xi32>,
    tpu.vector_store %arg7[%swap3A_81, %swap3A_82], %sub3A_79 {strides = array<i32>} : memref<2x128xi32, #tpu.memory_space<vmem>>, vector<16xi32>,
    %get3A_84 = arith.constant 0 : i32
    %get3A_85 = arith.index_cast %get3A_84 : i32 to index
    %get3A_86 = arith.constant 96 : index
    %get3A_87 = tpu.vector_load %arg5[%get3A_85, %get3A_86] {strides = array<i32>} : memref<50x128xi32, #tpu.memory_space<vmem>>, vector<16xi32>,
    %swap3A_88 = arith.constant 0 : i32
    %swap3A_89 = arith.index_cast %swap3A_88 : i32 to index
    %swap3A_90 = arith.constant 96 : index
    %swap3A_91 = tpu.vector_load %arg6[%swap3A_89, %swap3A_90] {strides = array<i32>} : memref<2x128xi32, #tpu.memory_space<vmem>>, vector<16xi32>,
    tpu.vector_store %arg6[%swap3A_89, %swap3A_90], %get3A_87 {strides = array<i32>} : memref<2x128xi32, #tpu.memory_space<vmem>>, vector<16xi32>,
    %sub3A_92 = arith.subi %get3A_87, %get3A_87 : vector<16xi32>
    %swap3A_93 = arith.constant 0 : i32
    %swap3A_94 = arith.index_cast %swap3A_93 : i32 to index
    %swap3A_95 = arith.constant 96 : index
    %swap3A_96 = tpu.vector_load %arg7[%swap3A_94, %swap3A_95] {strides = array<i32>} : memref<2x128xi32, #tpu.memory_space<vmem>>, vector<16xi32>,
    tpu.vector_store %arg7[%swap3A_94, %swap3A_95], %sub3A_92 {strides = array<i32>} : memref<2x128xi32, #tpu.memory_space<vmem>>, vector<16xi32>,
    %get3A_97 = arith.constant 0 : i32
    %get3A_98 = arith.index_cast %get3A_97 : i32 to index
    %get3A_99 = arith.constant 112 : index
    %get3A_100 = tpu.vector_load %arg5[%get3A_98, %get3A_99] {strides = array<i32>} : memref<50x128xi32, #tpu.memory_space<vmem>>, vector<16xi32>,
    %swap3A_101 = arith.constant 0 : i32
    %swap3A_102 = arith.index_cast %swap3A_101 : i32 to index
    %swap3A_103 = arith.constant 112 : index
    %swap3A_104 = tpu.vector_load %arg6[%swap3A_102, %swap3A_103] {strides = array<i32>} : memref<2x128xi32, #tpu.memory_space<vmem>>, vector<16xi32>,
    tpu.vector_store %arg6[%swap3A_102, %swap3A_103], %get3A_100 {strides = array<i32>} : memref<2x128xi32, #tpu.memory_space<vmem>>, vector<16xi32>,
    %sub3A_105 = arith.subi %get3A_100, %get3A_100 : vector<16xi32>
    %swap3A_106 = arith.constant 0 : i32
    %swap3A_107 = arith.index_cast %swap3A_106 : i32 to index
    %swap3A_108 = arith.constant 112 : index
    %swap3A_109 = tpu.vector_load %arg7[%swap3A_107, %swap3A_108] {strides = array<i32>} : memref<2x128xi32, #tpu.memory_space<vmem>>, vector<16xi32>,
    tpu.vector_store %arg7[%swap3A_107, %swap3A_108], %sub3A_105 {strides = array<i32>} : memref<2x128xi32, #tpu.memory_space<vmem>>, vector<16xi32>,
    %dma_start3A_110 = arith.constant 0 : i32
    %dma_start3A_111 = arith.constant 0 : i32
    %dma_start3A_112 = arith.constant 0 : i32
    %dma_start3A_113 = tpu.memref_slice %arg6[%dma_start3A_110, %dma_start3A_112] : memref<2x128xi32, #tpu.memory_space<vmem>> -> memref<1x128xi32, #tpu.memory_space<vmem>>
    %dma_start3A_114 = tpu.memref_squeeze %dma_start3A_113 : memref<1x128xi32, #tpu.memory_space<vmem>> -> memref<128xi32, #tpu.memory_space<vmem>>
    %dma_start3A_115 = arith.constant 0 : i32
    %dma_start3A_116 = arith.constant 0 : i32
    %dma_start3A_117 = tpu.memref_slice %arg3[%dma_start3A_115, %dma_start3A_116] : memref<1000000x128xf32, #tpu.memory_space<hbm>> -> memref<1000000x128xf32, #tpu.memory_space<hbm>>
    %dma_start3A_118 = tpu.memref_slice %arg12[%dma_start3A_111] : memref<2x!tpu.dma_semaphore, #tpu.memory_space<semaphore_mem>> -> memref<1x!tpu.dma_semaphore, #tpu.memory_space<semaphore_mem>>
    %dma_start3A_119 = tpu.memref_squeeze %dma_start3A_118 : memref<1x!tpu.dma_semaphore, #tpu.memory_space<semaphore_mem>> -> memref<!tpu.dma_semaphore, #tpu.memory_space<semaphore_mem>>
    tpu.enqueue_indirect_dma source(%dma_start3A_117 : memref<1000000x128xf32, #tpu.memory_space<hbm>>) target(%arg8 : memref<128x128xf32, #tpu.memory_space<vmem>>) offsets(%dma_start3A_114 : memref<128xi32, #tpu.memory_space<vmem>>) semaphore(%dma_start3A_119 : memref<!tpu.dma_semaphore, #tpu.memory_space<semaphore_mem>>)
    %scan3A = arith.constant 0 : i32
    %scan3A_120 = arith.constant 0 : i32
    %scan3A_121 = arith.constant 25 : i32
    %scan3A_122 = arith.addi %scan3A_120, %scan3A_121 : i32
    %scan3A_123 = arith.constant 1 : i32
    scf.for %scan3A_143 = %scan3A_120 to %scan3A_122 step %scan3A_123  : i32 {
      %mul3A_144 = arith.constant 2 : i32
      %mul3A_145 = arith.muli %scan3A_143, %mul3A_144 : i32
      %add3A_146 = arith.constant 0 : i32
      %add3A_147 = arith.addi %mul3A_145, %add3A_146 : i32
      %lt3A = arith.constant 50 : i32
      %lt3A_148 = arith.cmpi slt, %add3A_147, %lt3A : i32
      %convert_element_type3A = arith.extui %lt3A_148 : i1 to i32
      %cond3A = arith.constant 0 : i32
      %cond3A_149 = arith.cmpi ne, %convert_element_type3A, %cond3A : i32
      scf.if %cond3A_149 {
        %add3A_159 = arith.constant 1 : i32
        %add3A_160 = arith.addi %add3A_147, %add3A_159 : i32
        %lt3A_161 = arith.constant 50 : i32
        %lt3A_162 = arith.cmpi slt, %add3A_160, %lt3A_161 : i32
        %convert_element_type3A_163 = arith.extui %lt3A_162 : i1 to i32
        %cond3A_164 = arith.constant 0 : i32
        %cond3A_165 = arith.cmpi ne, %convert_element_type3A_163, %cond3A_164 : i32
        scf.if %cond3A_165 {
          %get3A_222 = arith.index_cast %add3A_160 : i32 to index
          %get3A_223 = arith.constant 0 : index
          %get3A_224 = tpu.vector_load %arg5[%get3A_222, %get3A_223] {strides = array<i32>} : memref<50x128xi32, #tpu.memory_space<vmem>>, vector<16xi32>,
          %swap3A_225 = arith.constant 1 : i32
          %swap3A_226 = arith.index_cast %swap3A_225 : i32 to index
          %swap3A_227 = arith.constant 0 : index
          %swap3A_228 = tpu.vector_load %arg6[%swap3A_226, %swap3A_227] {strides = array<i32>} : memref<2x128xi32, #tpu.memory_space<vmem>>, vector<16xi32>,
          tpu.vector_store %arg6[%swap3A_226, %swap3A_227], %get3A_224 {strides = array<i32>} : memref<2x128xi32, #tpu.memory_space<vmem>>, vector<16xi32>,
          %sub3A_229 = arith.subi %get3A_224, %get3A_224 : vector<16xi32>
          %swap3A_230 = arith.constant 1 : i32
          %swap3A_231 = arith.index_cast %swap3A_230 : i32 to index
          %swap3A_232 = arith.constant 0 : index
          %swap3A_233 = tpu.vector_load %arg7[%swap3A_231, %swap3A_232] {strides = array<i32>} : memref<2x128xi32, #tpu.memory_space<vmem>>, vector<16xi32>,
          tpu.vector_store %arg7[%swap3A_231, %swap3A_232], %sub3A_229 {strides = array<i32>} : memref<2x128xi32, #tpu.memory_space<vmem>>, vector<16xi32>,
          %get3A_234 = arith.index_cast %add3A_160 : i32 to index
          %get3A_235 = arith.constant 16 : index
          %get3A_236 = tpu.vector_load %arg5[%get3A_234, %get3A_235] {strides = array<i32>} : memref<50x128xi32, #tpu.memory_space<vmem>>, vector<16xi32>,
          %swap3A_237 = arith.constant 1 : i32
          %swap3A_238 = arith.index_cast %swap3A_237 : i32 to index
          %swap3A_239 = arith.constant 16 : index
          %swap3A_240 = tpu.vector_load %arg6[%swap3A_238, %swap3A_239] {strides = array<i32>} : memref<2x128xi32, #tpu.memory_space<vmem>>, vector<16xi32>,
          tpu.vector_store %arg6[%swap3A_238, %swap3A_239], %get3A_236 {strides = array<i32>} : memref<2x128xi32, #tpu.memory_space<vmem>>, vector<16xi32>,
          %sub3A_241 = arith.subi %get3A_236, %get3A_236 : vector<16xi32>
          %swap3A_242 = arith.constant 1 : i32
          %swap3A_243 = arith.index_cast %swap3A_242 : i32 to index
          %swap3A_244 = arith.constant 16 : index
          %swap3A_245 = tpu.vector_load %arg7[%swap3A_243, %swap3A_244] {strides = array<i32>} : memref<2x128xi32, #tpu.memory_space<vmem>>, vector<16xi32>,
          tpu.vector_store %arg7[%swap3A_243, %swap3A_244], %sub3A_241 {strides = array<i32>} : memref<2x128xi32, #tpu.memory_space<vmem>>, vector<16xi32>,
          %get3A_246 = arith.index_cast %add3A_160 : i32 to index
          %get3A_247 = arith.constant 32 : index
          %get3A_248 = tpu.vector_load %arg5[%get3A_246, %get3A_247] {strides = array<i32>} : memref<50x128xi32, #tpu.memory_space<vmem>>, vector<16xi32>,
          %swap3A_249 = arith.constant 1 : i32
          %swap3A_250 = arith.index_cast %swap3A_249 : i32 to index
          %swap3A_251 = arith.constant 32 : index
          %swap3A_252 = tpu.vector_load %arg6[%swap3A_250, %swap3A_251] {strides = array<i32>} : memref<2x128xi32, #tpu.memory_space<vmem>>, vector<16xi32>,
          tpu.vector_store %arg6[%swap3A_250, %swap3A_251], %get3A_248 {strides = array<i32>} : memref<2x128xi32, #tpu.memory_space<vmem>>, vector<16xi32>,
          %sub3A_253 = arith.subi %get3A_248, %get3A_248 : vector<16xi32>
          %swap3A_254 = arith.constant 1 : i32
          %swap3A_255 = arith.index_cast %swap3A_254 : i32 to index
          %swap3A_256 = arith.constant 32 : index
          %swap3A_257 = tpu.vector_load %arg7[%swap3A_255, %swap3A_256] {strides = array<i32>} : memref<2x128xi32, #tpu.memory_space<vmem>>, vector<16xi32>,
          tpu.vector_store %arg7[%swap3A_255, %swap3A_256], %sub3A_253 {strides = array<i32>} : memref<2x128xi32, #tpu.memory_space<vmem>>, vector<16xi32>,
          %get3A_258 = arith.index_cast %add3A_160 : i32 to index
          %get3A_259 = arith.constant 48 : index
          %get3A_260 = tpu.vector_load %arg5[%get3A_258, %get3A_259] {strides = array<i32>} : memref<50x128xi32, #tpu.memory_space<vmem>>, vector<16xi32>,
          %swap3A_261 = arith.constant 1 : i32
          %swap3A_262 = arith.index_cast %swap3A_261 : i32 to index
          %swap3A_263 = arith.constant 48 : index
          %swap3A_264 = tpu.vector_load %arg6[%swap3A_262, %swap3A_263] {strides = array<i32>} : memref<2x128xi32, #tpu.memory_space<vmem>>, vector<16xi32>,
          tpu.vector_store %arg6[%swap3A_262, %swap3A_263], %get3A_260 {strides = array<i32>} : memref<2x128xi32, #tpu.memory_space<vmem>>, vector<16xi32>,
          %sub3A_265 = arith.subi %get3A_260, %get3A_260 : vector<16xi32>
          %swap3A_266 = arith.constant 1 : i32
          %swap3A_267 = arith.index_cast %swap3A_266 : i32 to index
          %swap3A_268 = arith.constant 48 : index
          %swap3A_269 = tpu.vector_load %arg7[%swap3A_267, %swap3A_268] {strides = array<i32>} : memref<2x128xi32, #tpu.memory_space<vmem>>, vector<16xi32>,
          tpu.vector_store %arg7[%swap3A_267, %swap3A_268], %sub3A_265 {strides = array<i32>} : memref<2x128xi32, #tpu.memory_space<vmem>>, vector<16xi32>,
          %get3A_270 = arith.index_cast %add3A_160 : i32 to index
          %get3A_271 = arith.constant 64 : index
          %get3A_272 = tpu.vector_load %arg5[%get3A_270, %get3A_271] {strides = array<i32>} : memref<50x128xi32, #tpu.memory_space<vmem>>, vector<16xi32>,
          %swap3A_273 = arith.constant 1 : i32
          %swap3A_274 = arith.index_cast %swap3A_273 : i32 to index
          %swap3A_275 = arith.constant 64 : index
          %swap3A_276 = tpu.vector_load %arg6[%swap3A_274, %swap3A_275] {strides = array<i32>} : memref<2x128xi32, #tpu.memory_space<vmem>>, vector<16xi32>,
          tpu.vector_store %arg6[%swap3A_274, %swap3A_275], %get3A_272 {strides = array<i32>} : memref<2x128xi32, #tpu.memory_space<vmem>>, vector<16xi32>,
          %sub3A_277 = arith.subi %get3A_272, %get3A_272 : vector<16xi32>
          %swap3A_278 = arith.constant 1 : i32
          %swap3A_279 = arith.index_cast %swap3A_278 : i32 to index
          %swap3A_280 = arith.constant 64 : index
          %swap3A_281 = tpu.vector_load %arg7[%swap3A_279, %swap3A_280] {strides = array<i32>} : memref<2x128xi32, #tpu.memory_space<vmem>>, vector<16xi32>,
          tpu.vector_store %arg7[%swap3A_279, %swap3A_280], %sub3A_277 {strides = array<i32>} : memref<2x128xi32, #tpu.memory_space<vmem>>, vector<16xi32>,
          %get3A_282 = arith.index_cast %add3A_160 : i32 to index
          %get3A_283 = arith.constant 80 : index
          %get3A_284 = tpu.vector_load %arg5[%get3A_282, %get3A_283] {strides = array<i32>} : memref<50x128xi32, #tpu.memory_space<vmem>>, vector<16xi32>,
          %swap3A_285 = arith.constant 1 : i32
          %swap3A_286 = arith.index_cast %swap3A_285 : i32 to index
          %swap3A_287 = arith.constant 80 : index
          %swap3A_288 = tpu.vector_load %arg6[%swap3A_286, %swap3A_287] {strides = array<i32>} : memref<2x128xi32, #tpu.memory_space<vmem>>, vector<16xi32>,
          tpu.vector_store %arg6[%swap3A_286, %swap3A_287], %get3A_284 {strides = array<i32>} : memref<2x128xi32, #tpu.memory_space<vmem>>, vector<16xi32>,
          %sub3A_289 = arith.subi %get3A_284, %get3A_284 : vector<16xi32>
          %swap3A_290 = arith.constant 1 : i32
          %swap3A_291 = arith.index_cast %swap3A_290 : i32 to index
          %swap3A_292 = arith.constant 80 : index
          %swap3A_293 = tpu.vector_load %arg7[%swap3A_291, %swap3A_292] {strides = array<i32>} : memref<2x128xi32, #tpu.memory_space<vmem>>, vector<16xi32>,
          tpu.vector_store %arg7[%swap3A_291, %swap3A_292], %sub3A_289 {strides = array<i32>} : memref<2x128xi32, #tpu.memory_space<vmem>>, vector<16xi32>,
          %get3A_294 = arith.index_cast %add3A_160 : i32 to index
          %get3A_295 = arith.constant 96 : index
          %get3A_296 = tpu.vector_load %arg5[%get3A_294, %get3A_295] {strides = array<i32>} : memref<50x128xi32, #tpu.memory_space<vmem>>, vector<16xi32>,
          %swap3A_297 = arith.constant 1 : i32
          %swap3A_298 = arith.index_cast %swap3A_297 : i32 to index
          %swap3A_299 = arith.constant 96 : index
          %swap3A_300 = tpu.vector_load %arg6[%swap3A_298, %swap3A_299] {strides = array<i32>} : memref<2x128xi32, #tpu.memory_space<vmem>>, vector<16xi32>,
          tpu.vector_store %arg6[%swap3A_298, %swap3A_299], %get3A_296 {strides = array<i32>} : memref<2x128xi32, #tpu.memory_space<vmem>>, vector<16xi32>,
          %sub3A_301 = arith.subi %get3A_296, %get3A_296 : vector<16xi32>
          %swap3A_302 = arith.constant 1 : i32
          %swap3A_303 = arith.index_cast %swap3A_302 : i32 to index
          %swap3A_304 = arith.constant 96 : index
          %swap3A_305 = tpu.vector_load %arg7[%swap3A_303, %swap3A_304] {strides = array<i32>} : memref<2x128xi32, #tpu.memory_space<vmem>>, vector<16xi32>,
          tpu.vector_store %arg7[%swap3A_303, %swap3A_304], %sub3A_301 {strides = array<i32>} : memref<2x128xi32, #tpu.memory_space<vmem>>, vector<16xi32>,
          %get3A_306 = arith.index_cast %add3A_160 : i32 to index
          %get3A_307 = arith.constant 112 : index
          %get3A_308 = tpu.vector_load %arg5[%get3A_306, %get3A_307] {strides = array<i32>} : memref<50x128xi32, #tpu.memory_space<vmem>>, vector<16xi32>,
          %swap3A_309 = arith.constant 1 : i32
          %swap3A_310 = arith.index_cast %swap3A_309 : i32 to index
          %swap3A_311 = arith.constant 112 : index
          %swap3A_312 = tpu.vector_load %arg6[%swap3A_310, %swap3A_311] {strides = array<i32>} : memref<2x128xi32, #tpu.memory_space<vmem>>, vector<16xi32>,
          tpu.vector_store %arg6[%swap3A_310, %swap3A_311], %get3A_308 {strides = array<i32>} : memref<2x128xi32, #tpu.memory_space<vmem>>, vector<16xi32>,
          %sub3A_313 = arith.subi %get3A_308, %get3A_308 : vector<16xi32>
          %swap3A_314 = arith.constant 1 : i32
          %swap3A_315 = arith.index_cast %swap3A_314 : i32 to index
          %swap3A_316 = arith.constant 112 : index
          %swap3A_317 = tpu.vector_load %arg7[%swap3A_315, %swap3A_316] {strides = array<i32>} : memref<2x128xi32, #tpu.memory_space<vmem>>, vector<16xi32>,
          tpu.vector_store %arg7[%swap3A_315, %swap3A_316], %sub3A_313 {strides = array<i32>} : memref<2x128xi32, #tpu.memory_space<vmem>>, vector<16xi32>,
          %dma_start3A_318 = arith.constant 1 : i32
          %dma_start3A_319 = arith.constant 1 : i32
          %dma_start3A_320 = arith.constant 0 : i32
          %dma_start3A_321 = tpu.memref_slice %arg6[%dma_start3A_318, %dma_start3A_320] : memref<2x128xi32, #tpu.memory_space<vmem>> -> memref<1x128xi32, #tpu.memory_space<vmem>>
          %dma_start3A_322 = tpu.memref_squeeze %dma_start3A_321 : memref<1x128xi32, #tpu.memory_space<vmem>> -> memref<128xi32, #tpu.memory_space<vmem>>
          %dma_start3A_323 = arith.constant 0 : i32
          %dma_start3A_324 = arith.constant 0 : i32
          %dma_start3A_325 = tpu.memref_slice %arg3[%dma_start3A_323, %dma_start3A_324] : memref<1000000x128xf32, #tpu.memory_space<hbm>> -> memref<1000000x128xf32, #tpu.memory_space<hbm>>
          %dma_start3A_326 = tpu.memref_slice %arg12[%dma_start3A_319] : memref<2x!tpu.dma_semaphore, #tpu.memory_space<semaphore_mem>> -> memref<1x!tpu.dma_semaphore, #tpu.memory_space<semaphore_mem>>
          %dma_start3A_327 = tpu.memref_squeeze %dma_start3A_326 : memref<1x!tpu.dma_semaphore, #tpu.memory_space<semaphore_mem>> -> memref<!tpu.dma_semaphore, #tpu.memory_space<semaphore_mem>>
          tpu.enqueue_indirect_dma source(%dma_start3A_325 : memref<1000000x128xf32, #tpu.memory_space<hbm>>) target(%arg9 : memref<128x128xf32, #tpu.memory_space<vmem>>) offsets(%dma_start3A_322 : memref<128xi32, #tpu.memory_space<vmem>>) semaphore(%dma_start3A_327 : memref<!tpu.dma_semaphore, #tpu.memory_space<semaphore_mem>>)
        } else {
        }
        %dma_wait3A_166 = arith.constant 0 : i32
        %dma_wait3A_167 = arith.constant 0 : i32
        %dma_wait3A_168 = arith.constant 0 : i32
        %dma_wait3A_169 = tpu.memref_slice %arg3[%dma_wait3A_167, %dma_wait3A_168] : memref<1000000x128xf32, #tpu.memory_space<hbm>> -> memref<128x128xf32, #tpu.memory_space<hbm>>
        %dma_wait3A_170 = tpu.memref_slice %arg12[%dma_wait3A_166] : memref<2x!tpu.dma_semaphore, #tpu.memory_space<semaphore_mem>> -> memref<1x!tpu.dma_semaphore, #tpu.memory_space<semaphore_mem>>
        %dma_wait3A_171 = tpu.memref_squeeze %dma_wait3A_170 : memref<1x!tpu.dma_semaphore, #tpu.memory_space<semaphore_mem>> -> memref<!tpu.dma_semaphore, #tpu.memory_space<semaphore_mem>>
        %dma_wait3A_172 = arith.constant 0 : i32
        %dma_wait3A_173 = arith.constant 0 : i32
        %dma_wait3A_174 = tpu.memref_slice %arg3[%dma_wait3A_172, %dma_wait3A_173] : memref<1000000x128xf32, #tpu.memory_space<hbm>> -> memref<128x128xf32, #tpu.memory_space<hbm>>
        tpu.wait_dma2 semaphore(%dma_wait3A_171 : memref<!tpu.dma_semaphore, #tpu.memory_space<semaphore_mem>>) src(%dma_wait3A_174 : memref<128x128xf32, #tpu.memory_space<hbm>>) dst(%arg8 : memref<128x128xf32, #tpu.memory_space<vmem>>)
        %ge3A = arith.constant 2 : i32
        %ge3A_175 = arith.cmpi sge, %add3A_147, %ge3A : i32
        %convert_element_type3A_176 = arith.extui %ge3A_175 : i1 to i32
        %cond3A_177 = arith.constant 0 : i32
        %cond3A_178 = arith.cmpi ne, %convert_element_type3A_176, %cond3A_177 : i32
        scf.if %cond3A_178 {
          %dma_wait3A_222 = arith.constant 0 : i32
          %dma_wait3A_223 = arith.constant 0 : i32
          %dma_wait3A_224 = arith.constant 0 : i32
          %dma_wait3A_225 = tpu.memref_slice %arg3[%dma_wait3A_223, %dma_wait3A_224] : memref<1000000x128xf32, #tpu.memory_space<hbm>> -> memref<64x128xf32, #tpu.memory_space<hbm>>
          %dma_wait3A_226 = tpu.memref_slice %arg13[%dma_wait3A_222] : memref<2x!tpu.dma_semaphore, #tpu.memory_space<semaphore_mem>> -> memref<1x!tpu.dma_semaphore, #tpu.memory_space<semaphore_mem>>
          %dma_wait3A_227 = tpu.memref_squeeze %dma_wait3A_226 : memref<1x!tpu.dma_semaphore, #tpu.memory_space<semaphore_mem>> -> memref<!tpu.dma_semaphore, #tpu.memory_space<semaphore_mem>>
          %dma_wait3A_228 = arith.constant 0 : i32
          %dma_wait3A_229 = arith.constant 0 : i32
          %dma_wait3A_230 = tpu.memref_slice %arg3[%dma_wait3A_228, %dma_wait3A_229] : memref<1000000x128xf32, #tpu.memory_space<hbm>> -> memref<64x128xf32, #tpu.memory_space<hbm>>
          tpu.wait_dma2 semaphore(%dma_wait3A_227 : memref<!tpu.dma_semaphore, #tpu.memory_space<semaphore_mem>>) src(%dma_wait3A_230 : memref<64x128xf32, #tpu.memory_space<hbm>>) dst(%arg10 : memref<64x128xf32, #tpu.memory_space<vmem>>)
        } else {
        }
        %get3A_179 = arith.constant 0 : i32
        %get3A_180 = arith.index_cast %get3A_179 : i32 to index
        %get3A_181 = arith.constant 0 : index
        %get3A_182 = tpu.vector_load %arg7[%get3A_180, %get3A_181] {strides = array<i32>} : memref<2x128xi32, #tpu.memory_space<vmem>>, vector<16xi32>,
        %get3A_183 = arith.constant 0 : i32
        %get3A_184 = arith.index_cast %get3A_183 : i32 to index
        %get3A_185 = arith.constant 16 : index
        %get3A_186 = tpu.vector_load %arg7[%get3A_184, %get3A_185] {strides = array<i32>} : memref<2x128xi32, #tpu.memory_space<vmem>>, vector<16xi32>,
        %get3A_187 = arith.constant 0 : i32
        %get3A_188 = arith.index_cast %get3A_187 : i32 to index
        %get3A_189 = arith.constant 32 : index
        %get3A_190 = tpu.vector_load %arg7[%get3A_188, %get3A_189] {strides = array<i32>} : memref<2x128xi32, #tpu.memory_space<vmem>>, vector<16xi32>,
        %get3A_191 = arith.constant 0 : i32
        %get3A_192 = arith.index_cast %get3A_191 : i32 to index
        %get3A_193 = arith.constant 48 : index
        %get3A_194 = tpu.vector_load %arg7[%get3A_192, %get3A_193] {strides = array<i32>} : memref<2x128xi32, #tpu.memory_space<vmem>>, vector<16xi32>,
        %get3A_195 = arith.constant 0 : i32
        %get3A_196 = arith.index_cast %get3A_195 : i32 to index
        %get3A_197 = arith.constant 64 : index
        %get3A_198 = tpu.vector_load %arg7[%get3A_196, %get3A_197] {strides = array<i32>} : memref<2x128xi32, #tpu.memory_space<vmem>>, vector<16xi32>,
        %get3A_199 = arith.constant 0 : i32
        %get3A_200 = arith.index_cast %get3A_199 : i32 to index
        %get3A_201 = arith.constant 80 : index
        %get3A_202 = tpu.vector_load %arg7[%get3A_200, %get3A_201] {strides = array<i32>} : memref<2x128xi32, #tpu.memory_space<vmem>>, vector<16xi32>,
        %get3A_203 = arith.constant 0 : i32
        %get3A_204 = arith.index_cast %get3A_203 : i32 to index
        %get3A_205 = arith.constant 96 : index
        %get3A_206 = tpu.vector_load %arg7[%get3A_204, %get3A_205] {strides = array<i32>} : memref<2x128xi32, #tpu.memory_space<vmem>>, vector<16xi32>,
        %get3A_207 = arith.constant 0 : i32
        %get3A_208 = arith.index_cast %get3A_207 : i32 to index
        %get3A_209 = arith.constant 112 : index
        %get3A_210 = tpu.vector_load %arg7[%get3A_208, %get3A_209] {strides = array<i32>} : memref<2x128xi32, #tpu.memory_space<vmem>>, vector<16xi32>,
        %parallel_loop3A = arith.constant 0 : i32
        %parallel_loop3A_211 = arith.constant 64 : i32
        %parallel_loop3A_212 = arith.constant 1 : i32
        scf.for %parallel_loop3A_222 = %parallel_loop3A to %parallel_loop3A_211 step %parallel_loop3A_212  : i32 {
          %parallel_loop3A_223 = arith.constant 0 : i32
          %parallel_loop3A_224 = vector.broadcast %parallel_loop3A_223 : i32 to vector<16xi32>
          %parallel_loop3A_225 = arith.addi %iota3A, %parallel_loop3A_224 : vector<16xi32>
          %parallel_loop3A_226 = vector.broadcast %parallel_loop3A_222 : i32 to vector<16xi32>
          %parallel_loop3A_227 = arith.addi %get3A_182, %parallel_loop3A_226 : vector<16xi32>
          %parallel_loop3A_228 = tpu.vector_load_idx %arg8[%parallel_loop3A_225, %parallel_loop3A_227] : memref<128x128xf32, #tpu.memory_space<vmem>>[vector<16xi32>, vector<16xi32>], vector<16xf32>,
          %parallel_loop3A_229 = arith.index_cast %parallel_loop3A_222 : i32 to index
          %parallel_loop3A_230 = arith.constant 0 : index
          %parallel_loop3A_231 = tpu.vector_load %arg10[%parallel_loop3A_229, %parallel_loop3A_230] {strides = array<i32>} : memref<64x128xf32, #tpu.memory_space<vmem>>, vector<16xf32>,
          tpu.vector_store %arg10[%parallel_loop3A_229, %parallel_loop3A_230], %parallel_loop3A_228 {strides = array<i32>} : memref<64x128xf32, #tpu.memory_space<vmem>>, vector<16xf32>,
          %parallel_loop3A_232 = arith.constant 16 : i32
          %parallel_loop3A_233 = vector.broadcast %parallel_loop3A_232 : i32 to vector<16xi32>
          %parallel_loop3A_234 = arith.addi %iota3A, %parallel_loop3A_233 : vector<16xi32>
          %parallel_loop3A_235 = vector.broadcast %parallel_loop3A_222 : i32 to vector<16xi32>
          %parallel_loop3A_236 = arith.addi %get3A_186, %parallel_loop3A_235 : vector<16xi32>
          %parallel_loop3A_237 = tpu.vector_load_idx %arg8[%parallel_loop3A_234, %parallel_loop3A_236] : memref<128x128xf32, #tpu.memory_space<vmem>>[vector<16xi32>, vector<16xi32>], vector<16xf32>,
          %parallel_loop3A_238 = arith.index_cast %parallel_loop3A_222 : i32 to index
          %parallel_loop3A_239 = arith.constant 16 : index
          %parallel_loop3A_240 = tpu.vector_load %arg10[%parallel_loop3A_238, %parallel_loop3A_239] {strides = array<i32>} : memref<64x128xf32, #tpu.memory_space<vmem>>, vector<16xf32>,
          tpu.vector_store %arg10[%parallel_loop3A_238, %parallel_loop3A_239], %parallel_loop3A_237 {strides = array<i32>} : memref<64x128xf32, #tpu.memory_space<vmem>>, vector<16xf32>,
          %parallel_loop3A_241 = arith.constant 32 : i32
          %parallel_loop3A_242 = vector.broadcast %parallel_loop3A_241 : i32 to vector<16xi32>
          %parallel_loop3A_243 = arith.addi %iota3A, %parallel_loop3A_242 : vector<16xi32>
          %parallel_loop3A_244 = vector.broadcast %parallel_loop3A_222 : i32 to vector<16xi32>
          %parallel_loop3A_245 = arith.addi %get3A_190, %parallel_loop3A_244 : vector<16xi32>
          %parallel_loop3A_246 = tpu.vector_load_idx %arg8[%parallel_loop3A_243, %parallel_loop3A_245] : memref<128x128xf32, #tpu.memory_space<vmem>>[vector<16xi32>, vector<16xi32>], vector<16xf32>,
          %parallel_loop3A_247 = arith.index_cast %parallel_loop3A_222 : i32 to index
          %parallel_loop3A_248 = arith.constant 32 : index
          %parallel_loop3A_249 = tpu.vector_load %arg10[%parallel_loop3A_247, %parallel_loop3A_248] {strides = array<i32>} : memref<64x128xf32, #tpu.memory_space<vmem>>, vector<16xf32>,
          tpu.vector_store %arg10[%parallel_loop3A_247, %parallel_loop3A_248], %parallel_loop3A_246 {strides = array<i32>} : memref<64x128xf32, #tpu.memory_space<vmem>>, vector<16xf32>,
          %parallel_loop3A_250 = arith.constant 48 : i32
          %parallel_loop3A_251 = vector.broadcast %parallel_loop3A_250 : i32 to vector<16xi32>
          %parallel_loop3A_252 = arith.addi %iota3A, %parallel_loop3A_251 : vector<16xi32>
          %parallel_loop3A_253 = vector.broadcast %parallel_loop3A_222 : i32 to vector<16xi32>
          %parallel_loop3A_254 = arith.addi %get3A_194, %parallel_loop3A_253 : vector<16xi32>
          %parallel_loop3A_255 = tpu.vector_load_idx %arg8[%parallel_loop3A_252, %parallel_loop3A_254] : memref<128x128xf32, #tpu.memory_space<vmem>>[vector<16xi32>, vector<16xi32>], vector<16xf32>,
          %parallel_loop3A_256 = arith.index_cast %parallel_loop3A_222 : i32 to index
          %parallel_loop3A_257 = arith.constant 48 : index
          %parallel_loop3A_258 = tpu.vector_load %arg10[%parallel_loop3A_256, %parallel_loop3A_257] {strides = array<i32>} : memref<64x128xf32, #tpu.memory_space<vmem>>, vector<16xf32>,
          tpu.vector_store %arg10[%parallel_loop3A_256, %parallel_loop3A_257], %parallel_loop3A_255 {strides = array<i32>} : memref<64x128xf32, #tpu.memory_space<vmem>>, vector<16xf32>,
          %parallel_loop3A_259 = arith.constant 64 : i32
          %parallel_loop3A_260 = vector.broadcast %parallel_loop3A_259 : i32 to vector<16xi32>
          %parallel_loop3A_261 = arith.addi %iota3A, %parallel_loop3A_260 : vector<16xi32>
          %parallel_loop3A_262 = vector.broadcast %parallel_loop3A_222 : i32 to vector<16xi32>
          %parallel_loop3A_263 = arith.addi %get3A_198, %parallel_loop3A_262 : vector<16xi32>
          %parallel_loop3A_264 = tpu.vector_load_idx %arg8[%parallel_loop3A_261, %parallel_loop3A_263] : memref<128x128xf32, #tpu.memory_space<vmem>>[vector<16xi32>, vector<16xi32>], vector<16xf32>,
          %parallel_loop3A_265 = arith.index_cast %parallel_loop3A_222 : i32 to index
          %parallel_loop3A_266 = arith.constant 64 : index
          %parallel_loop3A_267 = tpu.vector_load %arg10[%parallel_loop3A_265, %parallel_loop3A_266] {strides = array<i32>} : memref<64x128xf32, #tpu.memory_space<vmem>>, vector<16xf32>,
          tpu.vector_store %arg10[%parallel_loop3A_265, %parallel_loop3A_266], %parallel_loop3A_264 {strides = array<i32>} : memref<64x128xf32, #tpu.memory_space<vmem>>, vector<16xf32>,
          %parallel_loop3A_268 = arith.constant 80 : i32
          %parallel_loop3A_269 = vector.broadcast %parallel_loop3A_268 : i32 to vector<16xi32>
          %parallel_loop3A_270 = arith.addi %iota3A, %parallel_loop3A_269 : vector<16xi32>
          %parallel_loop3A_271 = vector.broadcast %parallel_loop3A_222 : i32 to vector<16xi32>
          %parallel_loop3A_272 = arith.addi %get3A_202, %parallel_loop3A_271 : vector<16xi32>
          %parallel_loop3A_273 = tpu.vector_load_idx %arg8[%parallel_loop3A_270, %parallel_loop3A_272] : memref<128x128xf32, #tpu.memory_space<vmem>>[vector<16xi32>, vector<16xi32>], vector<16xf32>,
          %parallel_loop3A_274 = arith.index_cast %parallel_loop3A_222 : i32 to index
          %parallel_loop3A_275 = arith.constant 80 : index
          %parallel_loop3A_276 = tpu.vector_load %arg10[%parallel_loop3A_274, %parallel_loop3A_275] {strides = array<i32>} : memref<64x128xf32, #tpu.memory_space<vmem>>, vector<16xf32>,
          tpu.vector_store %arg10[%parallel_loop3A_274, %parallel_loop3A_275], %parallel_loop3A_273 {strides = array<i32>} : memref<64x128xf32, #tpu.memory_space<vmem>>, vector<16xf32>,
          %parallel_loop3A_277 = arith.constant 96 : i32
          %parallel_loop3A_278 = vector.broadcast %parallel_loop3A_277 : i32 to vector<16xi32>
          %parallel_loop3A_279 = arith.addi %iota3A, %parallel_loop3A_278 : vector<16xi32>
          %parallel_loop3A_280 = vector.broadcast %parallel_loop3A_222 : i32 to vector<16xi32>
          %parallel_loop3A_281 = arith.addi %get3A_206, %parallel_loop3A_280 : vector<16xi32>
          %parallel_loop3A_282 = tpu.vector_load_idx %arg8[%parallel_loop3A_279, %parallel_loop3A_281] : memref<128x128xf32, #tpu.memory_space<vmem>>[vector<16xi32>, vector<16xi32>], vector<16xf32>,
          %parallel_loop3A_283 = arith.index_cast %parallel_loop3A_222 : i32 to index
          %parallel_loop3A_284 = arith.constant 96 : index
          %parallel_loop3A_285 = tpu.vector_load %arg10[%parallel_loop3A_283, %parallel_loop3A_284] {strides = array<i32>} : memref<64x128xf32, #tpu.memory_space<vmem>>, vector<16xf32>,
          tpu.vector_store %arg10[%parallel_loop3A_283, %parallel_loop3A_284], %parallel_loop3A_282 {strides = array<i32>} : memref<64x128xf32, #tpu.memory_space<vmem>>, vector<16xf32>,
          %parallel_loop3A_286 = arith.constant 112 : i32
          %parallel_loop3A_287 = vector.broadcast %parallel_loop3A_286 : i32 to vector<16xi32>
          %parallel_loop3A_288 = arith.addi %iota3A, %parallel_loop3A_287 : vector<16xi32>
          %parallel_loop3A_289 = vector.broadcast %parallel_loop3A_222 : i32 to vector<16xi32>
          %parallel_loop3A_290 = arith.addi %get3A_210, %parallel_loop3A_289 : vector<16xi32>
          %parallel_loop3A_291 = tpu.vector_load_idx %arg8[%parallel_loop3A_288, %parallel_loop3A_290] : memref<128x128xf32, #tpu.memory_space<vmem>>[vector<16xi32>, vector<16xi32>], vector<16xf32>,
          %parallel_loop3A_292 = arith.index_cast %parallel_loop3A_222 : i32 to index
          %parallel_loop3A_293 = arith.constant 112 : index
          %parallel_loop3A_294 = tpu.vector_load %arg10[%parallel_loop3A_292, %parallel_loop3A_293] {strides = array<i32>} : memref<64x128xf32, #tpu.memory_space<vmem>>, vector<16xf32>,
          tpu.vector_store %arg10[%parallel_loop3A_292, %parallel_loop3A_293], %parallel_loop3A_291 {strides = array<i32>} : memref<64x128xf32, #tpu.memory_space<vmem>>, vector<16xf32>,
        } {sc.loop_unroll_factor = 8 : i64, sc.parallel_access}
        %dma_start3A_213 = arith.constant 0 : i32
        %dma_start3A_214 = arith.constant 0 : i32
        %dma_start3A_215 = tpu.memref_slice %arg4[%add3A_147, %dma_start3A_214, %mul3A_2] : memref<50x64x4096xf32, #tpu.memory_space<hbm>> -> memref<1x64x128xf32, #tpu.memory_space<hbm>>
        %dma_start3A_216 = tpu.memref_squeeze %dma_start3A_215 : memref<1x64x128xf32, #tpu.memory_space<hbm>> -> memref<64x128xf32, #tpu.memory_space<hbm>>
        %dma_start3A_217 = tpu.memref_slice %arg13[%dma_start3A_213] : memref<2x!tpu.dma_semaphore, #tpu.memory_space<semaphore_mem>> -> memref<1x!tpu.dma_semaphore, #tpu.memory_space<semaphore_mem>>
        %dma_start3A_218 = tpu.memref_squeeze %dma_start3A_217 : memref<1x!tpu.dma_semaphore, #tpu.memory_space<semaphore_mem>> -> memref<!tpu.dma_semaphore, #tpu.memory_space<semaphore_mem>>
        %dma_start3A_219 = arith.constant 0 : i32
        %dma_start3A_220 = tpu.memref_slice %arg4[%add3A_147, %dma_start3A_219, %mul3A_2] : memref<50x64x4096xf32, #tpu.memory_space<hbm>> -> memref<1x64x128xf32, #tpu.memory_space<hbm>>
        %dma_start3A_221 = tpu.memref_squeeze %dma_start3A_220 : memref<1x64x128xf32, #tpu.memory_space<hbm>> -> memref<64x128xf32, #tpu.memory_space<hbm>>
        tpu.enqueue_dma source(%arg10 : memref<64x128xf32, #tpu.memory_space<vmem>>) target(%dma_start3A_221 : memref<64x128xf32, #tpu.memory_space<hbm>>) target_semaphore(%dma_start3A_218 : memref<!tpu.dma_semaphore, #tpu.memory_space<semaphore_mem>>)
      } else {
      }
      %mul3A_150 = arith.constant 2 : i32
      %mul3A_151 = arith.muli %scan3A_143, %mul3A_150 : i32
      %add3A_152 = arith.constant 1 : i32
      %add3A_153 = arith.addi %mul3A_151, %add3A_152 : i32
      %lt3A_154 = arith.constant 50 : i32
      %lt3A_155 = arith.cmpi slt, %add3A_153, %lt3A_154 : i32
      %convert_element_type3A_156 = arith.extui %lt3A_155 : i1 to i32
      %cond3A_157 = arith.constant 0 : i32
      %cond3A_158 = arith.cmpi ne, %convert_element_type3A_156, %cond3A_157 : i32
      scf.if %cond3A_158 {
        %add3A_159 = arith.constant 1 : i32
        %add3A_160 = arith.addi %add3A_153, %add3A_159 : i32
        %lt3A_161 = arith.constant 50 : i32
        %lt3A_162 = arith.cmpi slt, %add3A_160, %lt3A_161 : i32
        %convert_element_type3A_163 = arith.extui %lt3A_162 : i1 to i32
        %cond3A_164 = arith.constant 0 : i32
        %cond3A_165 = arith.cmpi ne, %convert_element_type3A_163, %cond3A_164 : i32
        scf.if %cond3A_165 {
          %get3A_222 = arith.index_cast %add3A_160 : i32 to index
          %get3A_223 = arith.constant 0 : index
          %get3A_224 = tpu.vector_load %arg5[%get3A_222, %get3A_223] {strides = array<i32>} : memref<50x128xi32, #tpu.memory_space<vmem>>, vector<16xi32>,
          %swap3A_225 = arith.constant 0 : i32
          %swap3A_226 = arith.index_cast %swap3A_225 : i32 to index
          %swap3A_227 = arith.constant 0 : index
          %swap3A_228 = tpu.vector_load %arg6[%swap3A_226, %swap3A_227] {strides = array<i32>} : memref<2x128xi32, #tpu.memory_space<vmem>>, vector<16xi32>,
          tpu.vector_store %arg6[%swap3A_226, %swap3A_227], %get3A_224 {strides = array<i32>} : memref<2x128xi32, #tpu.memory_space<vmem>>, vector<16xi32>,
          %sub3A_229 = arith.subi %get3A_224, %get3A_224 : vector<16xi32>
          %swap3A_230 = arith.constant 0 : i32
          %swap3A_231 = arith.index_cast %swap3A_230 : i32 to index
          %swap3A_232 = arith.constant 0 : index
          %swap3A_233 = tpu.vector_load %arg7[%swap3A_231, %swap3A_232] {strides = array<i32>} : memref<2x128xi32, #tpu.memory_space<vmem>>, vector<16xi32>,
          tpu.vector_store %arg7[%swap3A_231, %swap3A_232], %sub3A_229 {strides = array<i32>} : memref<2x128xi32, #tpu.memory_space<vmem>>, vector<16xi32>,
          %get3A_234 = arith.index_cast %add3A_160 : i32 to index
          %get3A_235 = arith.constant 16 : index
          %get3A_236 = tpu.vector_load %arg5[%get3A_234, %get3A_235] {strides = array<i32>} : memref<50x128xi32, #tpu.memory_space<vmem>>, vector<16xi32>,
          %swap3A_237 = arith.constant 0 : i32
          %swap3A_238 = arith.index_cast %swap3A_237 : i32 to index
          %swap3A_239 = arith.constant 16 : index
          %swap3A_240 = tpu.vector_load %arg6[%swap3A_238, %swap3A_239] {strides = array<i32>} : memref<2x128xi32, #tpu.memory_space<vmem>>, vector<16xi32>,
          tpu.vector_store %arg6[%swap3A_238, %swap3A_239], %get3A_236 {strides = array<i32>} : memref<2x128xi32, #tpu.memory_space<vmem>>, vector<16xi32>,
          %sub3A_241 = arith.subi %get3A_236, %get3A_236 : vector<16xi32>
          %swap3A_242 = arith.constant 0 : i32
          %swap3A_243 = arith.index_cast %swap3A_242 : i32 to index
          %swap3A_244 = arith.constant 16 : index
          %swap3A_245 = tpu.vector_load %arg7[%swap3A_243, %swap3A_244] {strides = array<i32>} : memref<2x128xi32, #tpu.memory_space<vmem>>, vector<16xi32>,
          tpu.vector_store %arg7[%swap3A_243, %swap3A_244], %sub3A_241 {strides = array<i32>} : memref<2x128xi32, #tpu.memory_space<vmem>>, vector<16xi32>,
          %get3A_246 = arith.index_cast %add3A_160 : i32 to index
          %get3A_247 = arith.constant 32 : index
          %get3A_248 = tpu.vector_load %arg5[%get3A_246, %get3A_247] {strides = array<i32>} : memref<50x128xi32, #tpu.memory_space<vmem>>, vector<16xi32>,
          %swap3A_249 = arith.constant 0 : i32
          %swap3A_250 = arith.index_cast %swap3A_249 : i32 to index
          %swap3A_251 = arith.constant 32 : index
          %swap3A_252 = tpu.vector_load %arg6[%swap3A_250, %swap3A_251] {strides = array<i32>} : memref<2x128xi32, #tpu.memory_space<vmem>>, vector<16xi32>,
          tpu.vector_store %arg6[%swap3A_250, %swap3A_251], %get3A_248 {strides = array<i32>} : memref<2x128xi32, #tpu.memory_space<vmem>>, vector<16xi32>,
          %sub3A_253 = arith.subi %get3A_248, %get3A_248 : vector<16xi32>
          %swap3A_254 = arith.constant 0 : i32
          %swap3A_255 = arith.index_cast %swap3A_254 : i32 to index
          %swap3A_256 = arith.constant 32 : index
          %swap3A_257 = tpu.vector_load %arg7[%swap3A_255, %swap3A_256] {strides = array<i32>} : memref<2x128xi32, #tpu.memory_space<vmem>>, vector<16xi32>,
          tpu.vector_store %arg7[%swap3A_255, %swap3A_256], %sub3A_253 {strides = array<i32>} : memref<2x128xi32, #tpu.memory_space<vmem>>, vector<16xi32>,
          %get3A_258 = arith.index_cast %add3A_160 : i32 to index
          %get3A_259 = arith.constant 48 : index
          %get3A_260 = tpu.vector_load %arg5[%get3A_258, %get3A_259] {strides = array<i32>} : memref<50x128xi32, #tpu.memory_space<vmem>>, vector<16xi32>,
          %swap3A_261 = arith.constant 0 : i32
          %swap3A_262 = arith.index_cast %swap3A_261 : i32 to index
          %swap3A_263 = arith.constant 48 : index
          %swap3A_264 = tpu.vector_load %arg6[%swap3A_262, %swap3A_263] {strides = array<i32>} : memref<2x128xi32, #tpu.memory_space<vmem>>, vector<16xi32>,
          tpu.vector_store %arg6[%swap3A_262, %swap3A_263], %get3A_260 {strides = array<i32>} : memref<2x128xi32, #tpu.memory_space<vmem>>, vector<16xi32>,
          %sub3A_265 = arith.subi %get3A_260, %get3A_260 : vector<16xi32>
          %swap3A_266 = arith.constant 0 : i32
          %swap3A_267 = arith.index_cast %swap3A_266 : i32 to index
          %swap3A_268 = arith.constant 48 : index
          %swap3A_269 = tpu.vector_load %arg7[%swap3A_267, %swap3A_268] {strides = array<i32>} : memref<2x128xi32, #tpu.memory_space<vmem>>, vector<16xi32>,
          tpu.vector_store %arg7[%swap3A_267, %swap3A_268], %sub3A_265 {strides = array<i32>} : memref<2x128xi32, #tpu.memory_space<vmem>>, vector<16xi32>,
          %get3A_270 = arith.index_cast %add3A_160 : i32 to index
          %get3A_271 = arith.constant 64 : index
          %get3A_272 = tpu.vector_load %arg5[%get3A_270, %get3A_271] {strides = array<i32>} : memref<50x128xi32, #tpu.memory_space<vmem>>, vector<16xi32>,
          %swap3A_273 = arith.constant 0 : i32
          %swap3A_274 = arith.index_cast %swap3A_273 : i32 to index
          %swap3A_275 = arith.constant 64 : index
          %swap3A_276 = tpu.vector_load %arg6[%swap3A_274, %swap3A_275] {strides = array<i32>} : memref<2x128xi32, #tpu.memory_space<vmem>>, vector<16xi32>,
          tpu.vector_store %arg6[%swap3A_274, %swap3A_275], %get3A_272 {strides = array<i32>} : memref<2x128xi32, #tpu.memory_space<vmem>>, vector<16xi32>,
          %sub3A_277 = arith.subi %get3A_272, %get3A_272 : vector<16xi32>
          %swap3A_278 = arith.constant 0 : i32
          %swap3A_279 = arith.index_cast %swap3A_278 : i32 to index
          %swap3A_280 = arith.constant 64 : index
          %swap3A_281 = tpu.vector_load %arg7[%swap3A_279, %swap3A_280] {strides = array<i32>} : memref<2x128xi32, #tpu.memory_space<vmem>>, vector<16xi32>,
          tpu.vector_store %arg7[%swap3A_279, %swap3A_280], %sub3A_277 {strides = array<i32>} : memref<2x128xi32, #tpu.memory_space<vmem>>, vector<16xi32>,
          %get3A_282 = arith.index_cast %add3A_160 : i32 to index
          %get3A_283 = arith.constant 80 : index
          %get3A_284 = tpu.vector_load %arg5[%get3A_282, %get3A_283] {strides = array<i32>} : memref<50x128xi32, #tpu.memory_space<vmem>>, vector<16xi32>,
          %swap3A_285 = arith.constant 0 : i32
          %swap3A_286 = arith.index_cast %swap3A_285 : i32 to index
          %swap3A_287 = arith.constant 80 : index
          %swap3A_288 = tpu.vector_load %arg6[%swap3A_286, %swap3A_287] {strides = array<i32>} : memref<2x128xi32, #tpu.memory_space<vmem>>, vector<16xi32>,
          tpu.vector_store %arg6[%swap3A_286, %swap3A_287], %get3A_284 {strides = array<i32>} : memref<2x128xi32, #tpu.memory_space<vmem>>, vector<16xi32>,
          %sub3A_289 = arith.subi %get3A_284, %get3A_284 : vector<16xi32>
          %swap3A_290 = arith.constant 0 : i32
          %swap3A_291 = arith.index_cast %swap3A_290 : i32 to index
          %swap3A_292 = arith.constant 80 : index
          %swap3A_293 = tpu.vector_load %arg7[%swap3A_291, %swap3A_292] {strides = array<i32>} : memref<2x128xi32, #tpu.memory_space<vmem>>, vector<16xi32>,
          tpu.vector_store %arg7[%swap3A_291, %swap3A_292], %sub3A_289 {strides = array<i32>} : memref<2x128xi32, #tpu.memory_space<vmem>>, vector<16xi32>,
          %get3A_294 = arith.index_cast %add3A_160 : i32 to index
          %get3A_295 = arith.constant 96 : index
          %get3A_296 = tpu.vector_load %arg5[%get3A_294, %get3A_295] {strides = array<i32>} : memref<50x128xi32, #tpu.memory_space<vmem>>, vector<16xi32>,
          %swap3A_297 = arith.constant 0 : i32
          %swap3A_298 = arith.index_cast %swap3A_297 : i32 to index
          %swap3A_299 = arith.constant 96 : index
          %swap3A_300 = tpu.vector_load %arg6[%swap3A_298, %swap3A_299] {strides = array<i32>} : memref<2x128xi32, #tpu.memory_space<vmem>>, vector<16xi32>,
          tpu.vector_store %arg6[%swap3A_298, %swap3A_299], %get3A_296 {strides = array<i32>} : memref<2x128xi32, #tpu.memory_space<vmem>>, vector<16xi32>,
          %sub3A_301 = arith.subi %get3A_296, %get3A_296 : vector<16xi32>
          %swap3A_302 = arith.constant 0 : i32
          %swap3A_303 = arith.index_cast %swap3A_302 : i32 to index
          %swap3A_304 = arith.constant 96 : index
          %swap3A_305 = tpu.vector_load %arg7[%swap3A_303, %swap3A_304] {strides = array<i32>} : memref<2x128xi32, #tpu.memory_space<vmem>>, vector<16xi32>,
          tpu.vector_store %arg7[%swap3A_303, %swap3A_304], %sub3A_301 {strides = array<i32>} : memref<2x128xi32, #tpu.memory_space<vmem>>, vector<16xi32>,
          %get3A_306 = arith.index_cast %add3A_160 : i32 to index
          %get3A_307 = arith.constant 112 : index
          %get3A_308 = tpu.vector_load %arg5[%get3A_306, %get3A_307] {strides = array<i32>} : memref<50x128xi32, #tpu.memory_space<vmem>>, vector<16xi32>,
          %swap3A_309 = arith.constant 0 : i32
          %swap3A_310 = arith.index_cast %swap3A_309 : i32 to index
          %swap3A_311 = arith.constant 112 : index
          %swap3A_312 = tpu.vector_load %arg6[%swap3A_310, %swap3A_311] {strides = array<i32>} : memref<2x128xi32, #tpu.memory_space<vmem>>, vector<16xi32>,
          tpu.vector_store %arg6[%swap3A_310, %swap3A_311], %get3A_308 {strides = array<i32>} : memref<2x128xi32, #tpu.memory_space<vmem>>, vector<16xi32>,
          %sub3A_313 = arith.subi %get3A_308, %get3A_308 : vector<16xi32>
          %swap3A_314 = arith.constant 0 : i32
          %swap3A_315 = arith.index_cast %swap3A_314 : i32 to index
          %swap3A_316 = arith.constant 112 : index
          %swap3A_317 = tpu.vector_load %arg7[%swap3A_315, %swap3A_316] {strides = array<i32>} : memref<2x128xi32, #tpu.memory_space<vmem>>, vector<16xi32>,
          tpu.vector_store %arg7[%swap3A_315, %swap3A_316], %sub3A_313 {strides = array<i32>} : memref<2x128xi32, #tpu.memory_space<vmem>>, vector<16xi32>,
          %dma_start3A_318 = arith.constant 0 : i32
          %dma_start3A_319 = arith.constant 0 : i32
          %dma_start3A_320 = arith.constant 0 : i32
          %dma_start3A_321 = tpu.memref_slice %arg6[%dma_start3A_318, %dma_start3A_320] : memref<2x128xi32, #tpu.memory_space<vmem>> -> memref<1x128xi32, #tpu.memory_space<vmem>>
          %dma_start3A_322 = tpu.memref_squeeze %dma_start3A_321 : memref<1x128xi32, #tpu.memory_space<vmem>> -> memref<128xi32, #tpu.memory_space<vmem>>
          %dma_start3A_323 = arith.constant 0 : i32
          %dma_start3A_324 = arith.constant 0 : i32
          %dma_start3A_325 = tpu.memref_slice %arg3[%dma_start3A_323, %dma_start3A_324] : memref<1000000x128xf32, #tpu.memory_space<hbm>> -> memref<1000000x128xf32, #tpu.memory_space<hbm>>
          %dma_start3A_326 = tpu.memref_slice %arg12[%dma_start3A_319] : memref<2x!tpu.dma_semaphore, #tpu.memory_space<semaphore_mem>> -> memref<1x!tpu.dma_semaphore, #tpu.memory_space<semaphore_mem>>
          %dma_start3A_327 = tpu.memref_squeeze %dma_start3A_326 : memref<1x!tpu.dma_semaphore, #tpu.memory_space<semaphore_mem>> -> memref<!tpu.dma_semaphore, #tpu.memory_space<semaphore_mem>>
          tpu.enqueue_indirect_dma source(%dma_start3A_325 : memref<1000000x128xf32, #tpu.memory_space<hbm>>) target(%arg8 : memref<128x128xf32, #tpu.memory_space<vmem>>) offsets(%dma_start3A_322 : memref<128xi32, #tpu.memory_space<vmem>>) semaphore(%dma_start3A_327 : memref<!tpu.dma_semaphore, #tpu.memory_space<semaphore_mem>>)
        } else {
        }
        %dma_wait3A_166 = arith.constant 1 : i32
        %dma_wait3A_167 = arith.constant 0 : i32
        %dma_wait3A_168 = arith.constant 0 : i32
        %dma_wait3A_169 = tpu.memref_slice %arg3[%dma_wait3A_167, %dma_wait3A_168] : memref<1000000x128xf32, #tpu.memory_space<hbm>> -> memref<128x128xf32, #tpu.memory_space<hbm>>
        %dma_wait3A_170 = tpu.memref_slice %arg12[%dma_wait3A_166] : memref<2x!tpu.dma_semaphore, #tpu.memory_space<semaphore_mem>> -> memref<1x!tpu.dma_semaphore, #tpu.memory_space<semaphore_mem>>
        %dma_wait3A_171 = tpu.memref_squeeze %dma_wait3A_170 : memref<1x!tpu.dma_semaphore, #tpu.memory_space<semaphore_mem>> -> memref<!tpu.dma_semaphore, #tpu.memory_space<semaphore_mem>>
        %dma_wait3A_172 = arith.constant 0 : i32
        %dma_wait3A_173 = arith.constant 0 : i32
        %dma_wait3A_174 = tpu.memref_slice %arg3[%dma_wait3A_172, %dma_wait3A_173] : memref<1000000x128xf32, #tpu.memory_space<hbm>> -> memref<128x128xf32, #tpu.memory_space<hbm>>
        tpu.wait_dma2 semaphore(%dma_wait3A_171 : memref<!tpu.dma_semaphore, #tpu.memory_space<semaphore_mem>>) src(%dma_wait3A_174 : memref<128x128xf32, #tpu.memory_space<hbm>>) dst(%arg9 : memref<128x128xf32, #tpu.memory_space<vmem>>)
        %ge3A = arith.constant 2 : i32
        %ge3A_175 = arith.cmpi sge, %add3A_153, %ge3A : i32
        %convert_element_type3A_176 = arith.extui %ge3A_175 : i1 to i32
        %cond3A_177 = arith.constant 0 : i32
        %cond3A_178 = arith.cmpi ne, %convert_element_type3A_176, %cond3A_177 : i32
        scf.if %cond3A_178 {
          %dma_wait3A_222 = arith.constant 1 : i32
          %dma_wait3A_223 = arith.constant 0 : i32
          %dma_wait3A_224 = arith.constant 0 : i32
          %dma_wait3A_225 = tpu.memref_slice %arg3[%dma_wait3A_223, %dma_wait3A_224] : memref<1000000x128xf32, #tpu.memory_space<hbm>> -> memref<64x128xf32, #tpu.memory_space<hbm>>
          %dma_wait3A_226 = tpu.memref_slice %arg13[%dma_wait3A_222] : memref<2x!tpu.dma_semaphore, #tpu.memory_space<semaphore_mem>> -> memref<1x!tpu.dma_semaphore, #tpu.memory_space<semaphore_mem>>
          %dma_wait3A_227 = tpu.memref_squeeze %dma_wait3A_226 : memref<1x!tpu.dma_semaphore, #tpu.memory_space<semaphore_mem>> -> memref<!tpu.dma_semaphore, #tpu.memory_space<semaphore_mem>>
          %dma_wait3A_228 = arith.constant 0 : i32
          %dma_wait3A_229 = arith.constant 0 : i32
          %dma_wait3A_230 = tpu.memref_slice %arg3[%dma_wait3A_228, %dma_wait3A_229] : memref<1000000x128xf32, #tpu.memory_space<hbm>> -> memref<64x128xf32, #tpu.memory_space<hbm>>
          tpu.wait_dma2 semaphore(%dma_wait3A_227 : memref<!tpu.dma_semaphore, #tpu.memory_space<semaphore_mem>>) src(%dma_wait3A_230 : memref<64x128xf32, #tpu.memory_space<hbm>>) dst(%arg11 : memref<64x128xf32, #tpu.memory_space<vmem>>)
        } else {
        }
        %get3A_179 = arith.constant 1 : i32
        %get3A_180 = arith.index_cast %get3A_179 : i32 to index
        %get3A_181 = arith.constant 0 : index
        %get3A_182 = tpu.vector_load %arg7[%get3A_180, %get3A_181] {strides = array<i32>} : memref<2x128xi32, #tpu.memory_space<vmem>>, vector<16xi32>,
        %get3A_183 = arith.constant 1 : i32
        %get3A_184 = arith.index_cast %get3A_183 : i32 to index
        %get3A_185 = arith.constant 16 : index
        %get3A_186 = tpu.vector_load %arg7[%get3A_184, %get3A_185] {strides = array<i32>} : memref<2x128xi32, #tpu.memory_space<vmem>>, vector<16xi32>,
        %get3A_187 = arith.constant 1 : i32
        %get3A_188 = arith.index_cast %get3A_187 : i32 to index
        %get3A_189 = arith.constant 32 : index
        %get3A_190 = tpu.vector_load %arg7[%get3A_188, %get3A_189] {strides = array<i32>} : memref<2x128xi32, #tpu.memory_space<vmem>>, vector<16xi32>,
        %get3A_191 = arith.constant 1 : i32
        %get3A_192 = arith.index_cast %get3A_191 : i32 to index
        %get3A_193 = arith.constant 48 : index
        %get3A_194 = tpu.vector_load %arg7[%get3A_192, %get3A_193] {strides = array<i32>} : memref<2x128xi32, #tpu.memory_space<vmem>>, vector<16xi32>,
        %get3A_195 = arith.constant 1 : i32
        %get3A_196 = arith.index_cast %get3A_195 : i32 to index
        %get3A_197 = arith.constant 64 : index
        %get3A_198 = tpu.vector_load %arg7[%get3A_196, %get3A_197] {strides = array<i32>} : memref<2x128xi32, #tpu.memory_space<vmem>>, vector<16xi32>,
        %get3A_199 = arith.constant 1 : i32
        %get3A_200 = arith.index_cast %get3A_199 : i32 to index
        %get3A_201 = arith.constant 80 : index
        %get3A_202 = tpu.vector_load %arg7[%get3A_200, %get3A_201] {strides = array<i32>} : memref<2x128xi32, #tpu.memory_space<vmem>>, vector<16xi32>,
        %get3A_203 = arith.constant 1 : i32
        %get3A_204 = arith.index_cast %get3A_203 : i32 to index
        %get3A_205 = arith.constant 96 : index
        %get3A_206 = tpu.vector_load %arg7[%get3A_204, %get3A_205] {strides = array<i32>} : memref<2x128xi32, #tpu.memory_space<vmem>>, vector<16xi32>,
        %get3A_207 = arith.constant 1 : i32
        %get3A_208 = arith.index_cast %get3A_207 : i32 to index
        %get3A_209 = arith.constant 112 : index
        %get3A_210 = tpu.vector_load %arg7[%get3A_208, %get3A_209] {strides = array<i32>} : memref<2x128xi32, #tpu.memory_space<vmem>>, vector<16xi32>,
        %parallel_loop3A = arith.constant 0 : i32
        %parallel_loop3A_211 = arith.constant 64 : i32
        %parallel_loop3A_212 = arith.constant 1 : i32
        scf.for %parallel_loop3A_222 = %parallel_loop3A to %parallel_loop3A_211 step %parallel_loop3A_212  : i32 {
          %parallel_loop3A_223 = arith.constant 0 : i32
          %parallel_loop3A_224 = vector.broadcast %parallel_loop3A_223 : i32 to vector<16xi32>
          %parallel_loop3A_225 = arith.addi %iota3A, %parallel_loop3A_224 : vector<16xi32>
          %parallel_loop3A_226 = vector.broadcast %parallel_loop3A_222 : i32 to vector<16xi32>
          %parallel_loop3A_227 = arith.addi %get3A_182, %parallel_loop3A_226 : vector<16xi32>
          %parallel_loop3A_228 = tpu.vector_load_idx %arg9[%parallel_loop3A_225, %parallel_loop3A_227] : memref<128x128xf32, #tpu.memory_space<vmem>>[vector<16xi32>, vector<16xi32>], vector<16xf32>,
          %parallel_loop3A_229 = arith.index_cast %parallel_loop3A_222 : i32 to index
          %parallel_loop3A_230 = arith.constant 0 : index
          %parallel_loop3A_231 = tpu.vector_load %arg11[%parallel_loop3A_229, %parallel_loop3A_230] {strides = array<i32>} : memref<64x128xf32, #tpu.memory_space<vmem>>, vector<16xf32>,
          tpu.vector_store %arg11[%parallel_loop3A_229, %parallel_loop3A_230], %parallel_loop3A_228 {strides = array<i32>} : memref<64x128xf32, #tpu.memory_space<vmem>>, vector<16xf32>,
          %parallel_loop3A_232 = arith.constant 16 : i32
          %parallel_loop3A_233 = vector.broadcast %parallel_loop3A_232 : i32 to vector<16xi32>
          %parallel_loop3A_234 = arith.addi %iota3A, %parallel_loop3A_233 : vector<16xi32>
          %parallel_loop3A_235 = vector.broadcast %parallel_loop3A_222 : i32 to vector<16xi32>
          %parallel_loop3A_236 = arith.addi %get3A_186, %parallel_loop3A_235 : vector<16xi32>
          %parallel_loop3A_237 = tpu.vector_load_idx %arg9[%parallel_loop3A_234, %parallel_loop3A_236] : memref<128x128xf32, #tpu.memory_space<vmem>>[vector<16xi32>, vector<16xi32>], vector<16xf32>,
          %parallel_loop3A_238 = arith.index_cast %parallel_loop3A_222 : i32 to index
          %parallel_loop3A_239 = arith.constant 16 : index
          %parallel_loop3A_240 = tpu.vector_load %arg11[%parallel_loop3A_238, %parallel_loop3A_239] {strides = array<i32>} : memref<64x128xf32, #tpu.memory_space<vmem>>, vector<16xf32>,
          tpu.vector_store %arg11[%parallel_loop3A_238, %parallel_loop3A_239], %parallel_loop3A_237 {strides = array<i32>} : memref<64x128xf32, #tpu.memory_space<vmem>>, vector<16xf32>,
          %parallel_loop3A_241 = arith.constant 32 : i32
          %parallel_loop3A_242 = vector.broadcast %parallel_loop3A_241 : i32 to vector<16xi32>
          %parallel_loop3A_243 = arith.addi %iota3A, %parallel_loop3A_242 : vector<16xi32>
          %parallel_loop3A_244 = vector.broadcast %parallel_loop3A_222 : i32 to vector<16xi32>
          %parallel_loop3A_245 = arith.addi %get3A_190, %parallel_loop3A_244 : vector<16xi32>
          %parallel_loop3A_246 = tpu.vector_load_idx %arg9[%parallel_loop3A_243, %parallel_loop3A_245] : memref<128x128xf32, #tpu.memory_space<vmem>>[vector<16xi32>, vector<16xi32>], vector<16xf32>,
          %parallel_loop3A_247 = arith.index_cast %parallel_loop3A_222 : i32 to index
          %parallel_loop3A_248 = arith.constant 32 : index
          %parallel_loop3A_249 = tpu.vector_load %arg11[%parallel_loop3A_247, %parallel_loop3A_248] {strides = array<i32>} : memref<64x128xf32, #tpu.memory_space<vmem>>, vector<16xf32>,
          tpu.vector_store %arg11[%parallel_loop3A_247, %parallel_loop3A_248], %parallel_loop3A_246 {strides = array<i32>} : memref<64x128xf32, #tpu.memory_space<vmem>>, vector<16xf32>,
          %parallel_loop3A_250 = arith.constant 48 : i32
          %parallel_loop3A_251 = vector.broadcast %parallel_loop3A_250 : i32 to vector<16xi32>
          %parallel_loop3A_252 = arith.addi %iota3A, %parallel_loop3A_251 : vector<16xi32>
          %parallel_loop3A_253 = vector.broadcast %parallel_loop3A_222 : i32 to vector<16xi32>
          %parallel_loop3A_254 = arith.addi %get3A_194, %parallel_loop3A_253 : vector<16xi32>
          %parallel_loop3A_255 = tpu.vector_load_idx %arg9[%parallel_loop3A_252, %parallel_loop3A_254] : memref<128x128xf32, #tpu.memory_space<vmem>>[vector<16xi32>, vector<16xi32>], vector<16xf32>,
          %parallel_loop3A_256 = arith.index_cast %parallel_loop3A_222 : i32 to index
          %parallel_loop3A_257 = arith.constant 48 : index
          %parallel_loop3A_258 = tpu.vector_load %arg11[%parallel_loop3A_256, %parallel_loop3A_257] {strides = array<i32>} : memref<64x128xf32, #tpu.memory_space<vmem>>, vector<16xf32>,
          tpu.vector_store %arg11[%parallel_loop3A_256, %parallel_loop3A_257], %parallel_loop3A_255 {strides = array<i32>} : memref<64x128xf32, #tpu.memory_space<vmem>>, vector<16xf32>,
          %parallel_loop3A_259 = arith.constant 64 : i32
          %parallel_loop3A_260 = vector.broadcast %parallel_loop3A_259 : i32 to vector<16xi32>
          %parallel_loop3A_261 = arith.addi %iota3A, %parallel_loop3A_260 : vector<16xi32>
          %parallel_loop3A_262 = vector.broadcast %parallel_loop3A_222 : i32 to vector<16xi32>
          %parallel_loop3A_263 = arith.addi %get3A_198, %parallel_loop3A_262 : vector<16xi32>
          %parallel_loop3A_264 = tpu.vector_load_idx %arg9[%parallel_loop3A_261, %parallel_loop3A_263] : memref<128x128xf32, #tpu.memory_space<vmem>>[vector<16xi32>, vector<16xi32>], vector<16xf32>,
          %parallel_loop3A_265 = arith.index_cast %parallel_loop3A_222 : i32 to index
          %parallel_loop3A_266 = arith.constant 64 : index
          %parallel_loop3A_267 = tpu.vector_load %arg11[%parallel_loop3A_265, %parallel_loop3A_266] {strides = array<i32>} : memref<64x128xf32, #tpu.memory_space<vmem>>, vector<16xf32>,
          tpu.vector_store %arg11[%parallel_loop3A_265, %parallel_loop3A_266], %parallel_loop3A_264 {strides = array<i32>} : memref<64x128xf32, #tpu.memory_space<vmem>>, vector<16xf32>,
          %parallel_loop3A_268 = arith.constant 80 : i32
          %parallel_loop3A_269 = vector.broadcast %parallel_loop3A_268 : i32 to vector<16xi32>
          %parallel_loop3A_270 = arith.addi %iota3A, %parallel_loop3A_269 : vector<16xi32>
          %parallel_loop3A_271 = vector.broadcast %parallel_loop3A_222 : i32 to vector<16xi32>
          %parallel_loop3A_272 = arith.addi %get3A_202, %parallel_loop3A_271 : vector<16xi32>
          %parallel_loop3A_273 = tpu.vector_load_idx %arg9[%parallel_loop3A_270, %parallel_loop3A_272] : memref<128x128xf32, #tpu.memory_space<vmem>>[vector<16xi32>, vector<16xi32>], vector<16xf32>,
          %parallel_loop3A_274 = arith.index_cast %parallel_loop3A_222 : i32 to index
          %parallel_loop3A_275 = arith.constant 80 : index
          %parallel_loop3A_276 = tpu.vector_load %arg11[%parallel_loop3A_274, %parallel_loop3A_275] {strides = array<i32>} : memref<64x128xf32, #tpu.memory_space<vmem>>, vector<16xf32>,
          tpu.vector_store %arg11[%parallel_loop3A_274, %parallel_loop3A_275], %parallel_loop3A_273 {strides = array<i32>} : memref<64x128xf32, #tpu.memory_space<vmem>>, vector<16xf32>,
          %parallel_loop3A_277 = arith.constant 96 : i32
          %parallel_loop3A_278 = vector.broadcast %parallel_loop3A_277 : i32 to vector<16xi32>
          %parallel_loop3A_279 = arith.addi %iota3A, %parallel_loop3A_278 : vector<16xi32>
          %parallel_loop3A_280 = vector.broadcast %parallel_loop3A_222 : i32 to vector<16xi32>
          %parallel_loop3A_281 = arith.addi %get3A_206, %parallel_loop3A_280 : vector<16xi32>
          %parallel_loop3A_282 = tpu.vector_load_idx %arg9[%parallel_loop3A_279, %parallel_loop3A_281] : memref<128x128xf32, #tpu.memory_space<vmem>>[vector<16xi32>, vector<16xi32>], vector<16xf32>,
          %parallel_loop3A_283 = arith.index_cast %parallel_loop3A_222 : i32 to index
          %parallel_loop3A_284 = arith.constant 96 : index
          %parallel_loop3A_285 = tpu.vector_load %arg11[%parallel_loop3A_283, %parallel_loop3A_284] {strides = array<i32>} : memref<64x128xf32, #tpu.memory_space<vmem>>, vector<16xf32>,
          tpu.vector_store %arg11[%parallel_loop3A_283, %parallel_loop3A_284], %parallel_loop3A_282 {strides = array<i32>} : memref<64x128xf32, #tpu.memory_space<vmem>>, vector<16xf32>,
          %parallel_loop3A_286 = arith.constant 112 : i32
          %parallel_loop3A_287 = vector.broadcast %parallel_loop3A_286 : i32 to vector<16xi32>
          %parallel_loop3A_288 = arith.addi %iota3A, %parallel_loop3A_287 : vector<16xi32>
          %parallel_loop3A_289 = vector.broadcast %parallel_loop3A_222 : i32 to vector<16xi32>
          %parallel_loop3A_290 = arith.addi %get3A_210, %parallel_loop3A_289 : vector<16xi32>
          %parallel_loop3A_291 = tpu.vector_load_idx %arg9[%parallel_loop3A_288, %parallel_loop3A_290] : memref<128x128xf32, #tpu.memory_space<vmem>>[vector<16xi32>, vector<16xi32>], vector<16xf32>,
          %parallel_loop3A_292 = arith.index_cast %parallel_loop3A_222 : i32 to index
          %parallel_loop3A_293 = arith.constant 112 : index
          %parallel_loop3A_294 = tpu.vector_load %arg11[%parallel_loop3A_292, %parallel_loop3A_293] {strides = array<i32>} : memref<64x128xf32, #tpu.memory_space<vmem>>, vector<16xf32>,
          tpu.vector_store %arg11[%parallel_loop3A_292, %parallel_loop3A_293], %parallel_loop3A_291 {strides = array<i32>} : memref<64x128xf32, #tpu.memory_space<vmem>>, vector<16xf32>,
        } {sc.loop_unroll_factor = 8 : i64, sc.parallel_access}
        %dma_start3A_213 = arith.constant 1 : i32
        %dma_start3A_214 = arith.constant 0 : i32
        %dma_start3A_215 = tpu.memref_slice %arg4[%add3A_153, %dma_start3A_214, %mul3A_2] : memref<50x64x4096xf32, #tpu.memory_space<hbm>> -> memref<1x64x128xf32, #tpu.memory_space<hbm>>
        %dma_start3A_216 = tpu.memref_squeeze %dma_start3A_215 : memref<1x64x128xf32, #tpu.memory_space<hbm>> -> memref<64x128xf32, #tpu.memory_space<hbm>>
        %dma_start3A_217 = tpu.memref_slice %arg13[%dma_start3A_213] : memref<2x!tpu.dma_semaphore, #tpu.memory_space<semaphore_mem>> -> memref<1x!tpu.dma_semaphore, #tpu.memory_space<semaphore_mem>>
        %dma_start3A_218 = tpu.memref_squeeze %dma_start3A_217 : memref<1x!tpu.dma_semaphore, #tpu.memory_space<semaphore_mem>> -> memref<!tpu.dma_semaphore, #tpu.memory_space<semaphore_mem>>
        %dma_start3A_219 = arith.constant 0 : i32
        %dma_start3A_220 = tpu.memref_slice %arg4[%add3A_153, %dma_start3A_219, %mul3A_2] : memref<50x64x4096xf32, #tpu.memory_space<hbm>> -> memref<1x64x128xf32, #tpu.memory_space<hbm>>
        %dma_start3A_221 = tpu.memref_squeeze %dma_start3A_220 : memref<1x64x128xf32, #tpu.memory_space<hbm>> -> memref<64x128xf32, #tpu.memory_space<hbm>>
        tpu.enqueue_dma source(%arg11 : memref<64x128xf32, #tpu.memory_space<vmem>>) target(%dma_start3A_221 : memref<64x128xf32, #tpu.memory_space<hbm>>) target_semaphore(%dma_start3A_218 : memref<!tpu.dma_semaphore, #tpu.memory_space<semaphore_mem>>)
      } else {
      }
    }
    %scan3A_124 = arith.constant 25 : i32
    %dma_wait3A_125 = arith.constant 0 : i32
    %dma_wait3A_126 = arith.constant 0 : i32
    %dma_wait3A_127 = arith.constant 0 : i32
    %dma_wait3A_128 = tpu.memref_slice %arg3[%dma_wait3A_126, %dma_wait3A_127] : memref<1000000x128xf32, #tpu.memory_space<hbm>> -> memref<64x128xf32, #tpu.memory_space<hbm>>
    %dma_wait3A_129 = tpu.memref_slice %arg13[%dma_wait3A_125] : memref<2x!tpu.dma_semaphore, #tpu.memory_space<semaphore_mem>> -> memref<1x!tpu.dma_semaphore, #tpu.memory_space<semaphore_mem>>
    %dma_wait3A_130 = tpu.memref_squeeze %dma_wait3A_129 : memref<1x!tpu.dma_semaphore, #tpu.memory_space<semaphore_mem>> -> memref<!tpu.dma_semaphore, #tpu.memory_space<semaphore_mem>>
    %dma_wait3A_131 = arith.constant 0 : i32
    %dma_wait3A_132 = arith.constant 0 : i32
    %dma_wait3A_133 = tpu.memref_slice %arg3[%dma_wait3A_131, %dma_wait3A_132] : memref<1000000x128xf32, #tpu.memory_space<hbm>> -> memref<64x128xf32, #tpu.memory_space<hbm>>
    tpu.wait_dma2 semaphore(%dma_wait3A_130 : memref<!tpu.dma_semaphore, #tpu.memory_space<semaphore_mem>>) src(%dma_wait3A_133 : memref<64x128xf32, #tpu.memory_space<hbm>>) dst(%arg10 : memref<64x128xf32, #tpu.memory_space<vmem>>)
    %dma_wait3A_134 = arith.constant 1 : i32
    %dma_wait3A_135 = arith.constant 0 : i32
    %dma_wait3A_136 = arith.constant 0 : i32
    %dma_wait3A_137 = tpu.memref_slice %arg3[%dma_wait3A_135, %dma_wait3A_136] : memref<1000000x128xf32, #tpu.memory_space<hbm>> -> memref<64x128xf32, #tpu.memory_space<hbm>>
    %dma_wait3A_138 = tpu.memref_slice %arg13[%dma_wait3A_134] : memref<2x!tpu.dma_semaphore, #tpu.memory_space<semaphore_mem>> -> memref<1x!tpu.dma_semaphore, #tpu.memory_space<semaphore_mem>>
    %dma_wait3A_139 = tpu.memref_squeeze %dma_wait3A_138 : memref<1x!tpu.dma_semaphore, #tpu.memory_space<semaphore_mem>> -> memref<!tpu.dma_semaphore, #tpu.memory_space<semaphore_mem>>
    %dma_wait3A_140 = arith.constant 0 : i32
    %dma_wait3A_141 = arith.constant 0 : i32
    %dma_wait3A_142 = tpu.memref_slice %arg3[%dma_wait3A_140, %dma_wait3A_141] : memref<1000000x128xf32, #tpu.memory_space<hbm>> -> memref<64x128xf32, #tpu.memory_space<hbm>>
    tpu.wait_dma2 semaphore(%dma_wait3A_139 : memref<!tpu.dma_semaphore, #tpu.memory_space<semaphore_mem>>) src(%dma_wait3A_142 : memref<64x128xf32, #tpu.memory_space<hbm>>) dst(%arg11 : memref<64x128xf32, #tpu.memory_space<vmem>>)
    return
  }
}

</mosaic_0001>

<sc_bundles>
// kernel: kernel.3.cloned.1.call-start
scs
__scs_entry_jumppad:
0x0: {  	(pc) =	sbr.rel $0x88, $3  }
0x1: {  	(tag) =	ssettag $0x0;
	lr =	simm.s32 $0x1  }
0x2: {  	[smem:$0x3F9F] =	sst lr;
	_ =	strace $0xD0000000  }
0x3: {  	_ = 	snop  }
0x4: {  	_ = 	snop  }
0x5: {  	_ = 	snop  }
0x6: {  	_ = 	snop  }
0x7: {  	_ = 	snop  }
__scs_overlays_trampoline_lowered:
0x8: {  	[smem:$0x3FAE] =	sst s0  }
0x9: {  	[smem:$0x3FAF] =	sst s1  }
0xa: {  	[smem:$0x3FB0] =	sst s2  }
0xb: {  	[smem:$0x3FB1] =	sst s3  }
0xc: {  	[smem:$0x3FB2] =	sst s4  }
0xd: {  	[smem:$0x3FB3] =	sst s5  }
0xe: {  	[smem:$0x3FB4] =	sst s6  }
0xf: {  	[smem:$0x3FB5] =	sst s7  }
0x10: {  	[smem:$0x3FB6] =	sst s8  }
0x11: {  	[smem:$0x3FB7] =	sst s9;
	s0 =	simm.s32 @!p0 $0x0  }
0x12: {  	s1 =	sld [smem:$0x3F9D];
	s0 =	simm.s32 @p0 $0x1  }
0x13: {  	[smem:$0x3FB8] =	sst s0;
	s0 =	simm.s32 @!p1 $0x0  }
0x14: {  	s2 =	sld [smem:$0x3F9C];
	s0 =	simm.s32 @p1 $0x1  }
0x15: {  	[smem:$0x3FB9] =	sst s0;
	s0 =	simm.s32 @!p2 $0x0  }
0x16: {  	s3 =	sld [smem:$0x3FDB];
	s0 =	simm.s32 @p2 $0x1  }
0x17: {  	s4 =	simm.s32 $0x1BF5;
	[smem:$0x3FBB] =	sst s0  }
0x18: {  	s0 =	sld [smem:$0x3F9E];
	_ =	swait.ge [sflag:s4], $0x0  }
0x19: {  	s7 =	sld [smem:$0x3F9F]  }
0x1a: {  	s8 =	sadd.s32 $0xFFFFE003, lr  }
0x1b: {  	s9 =	sadd.s32 $0xFFFFFEF7, lr;
	s5 =	simm.s32 $0xFFFFFFFF;
	p2 =	slt.u32 s8, $0xFFFFF086  }
0x1c: {  	p1 =	slt.u32 s9, $0xF7A;
	s5 =	simm.s32 @!p2 $0x0  }
0x1d: {  	s5 =	simm.s32 @p1 $0x1;
	p0 =	seq.s32 s7, s2  }
0x1e: {  	s7 =	smul.u32 @!p0 $0xF7A, s2;
	p2 =	seq.s32 @!p0 s5, $0x0  }
0x1f: {  	s9 =	smul.u32 $0xF7A, s1;
	s8 =	simm.s32 @!p0 $0x1BF5;
	p2 =	por !p2, p0  }
0x20: {  	[sflag:s8] =	ssyncset.s32 @!p0 $0xFFFFF086;
	s6 =	sadd.s32 @!p0 s3, s7;
	s7 =	simm.s32 @!p0 $0x108  }
0x21: {  	s3 =	sadd.s32 s3, s9;
	s6 =	sadd.s32 @!p0 $0x88, s6;
	s7 =	simm.s32 @p2 $0x1082  }
0x22: {  	[simem:s7], [sflag:s8] =	dma.local @!p0 [hbm:s6], $0xF7A  }
0x23: {  	s9 =	sor.u32 $0xD0000000, s2;
	s6 =	simm.s32 $0x108;
	_ =	swait.ge @!p0 [sflag:s8], $0x0  }
0x24: {  	s3 =	sadd.s32 $0x88, s3;
	s6 =	simm.s32 @!p1 $0x1082;
	[sflag:s4] =	ssyncset.s32 $0xFFFFF086  }
0x25: {  	[simem:s6], [sflag:s4] =	dma.local [hbm:s3], $0xF7A  }
0x26: {  	[smem:$0x3F9F] =	sst s1;
	(tag) =	ssettag s2;
	_ =	strace s9  }
0x27: {  	s1 =	sld [smem:$0x3FAF]  }
0x28: {  	s2 =	sld [smem:$0x3FB0]  }
0x29: {  	s4 =	sld [smem:$0x3FB2]  }
0x2a: {  	p0 =	seq.s32 s5, $0x0;
	s5 =	sld [smem:$0x3FB3]  }
0x2b: {  	s6 =	sld [smem:$0x3FB4]  }
0x2c: {  	s7 =	sld [smem:$0x3FB5]  }
0x2d: {  	s3 =	simm.s32 $0x108;
	s8 =	sld [smem:$0x3FB6]  }
0x2e: {  	s3 =	simm.s32 @!p0 $0x1082;
	s9 =	sld [smem:$0x3FB7]  }
0x2f: {  	lr =	sadd.s32 s0, s3;
	s0 =	sld [smem:$0x3FAE]  }
0x30: {  	s3 =	sld [smem:$0x3FB1]  }
0x31: {  	[smem:$0x3FBA] =	sst s10  }
0x32: {  	s10 =	sld [smem:$0x3FB8];
	_ =	sdelay $0x3  }
0x33: {  	p0 =	seq.s32 s10, $0x1;
	s10 =	sld [smem:$0x3FBA];
	_ =	sdelay $0x3  }
0x34: {  	[smem:$0x3FBA] =	sst s10  }
0x35: {  	s10 =	sld [smem:$0x3FB9];
	_ =	sdelay $0x3  }
0x36: {  	p1 =	seq.s32 s10, $0x1;
	s10 =	sld [smem:$0x3FBA];
	_ =	sdelay $0x3  }
0x37: {  	[smem:$0x3FBA] =	sst s10  }
0x38: {  	s10 =	sld [smem:$0x3FBB]  }
0x39: {  	_ = 	snop;
	(pc) =	sbr.ind lr, $3  }
0x3a: {  	_ = 	snop  }
0x3b: {  	_ = 	snop  }
0x3c: {  	p2 =	seq.s32 s10, $0x1;
	s10 =	sld [smem:$0x3FBA]  }
0x3d: {  	_ =	shalt  }
0x3e: {  	_ =	shalt  }
0x3f: {  	_ =	shalt  }
0x40: {  	_ =	shalt  }
0x41: {  	_ =	shalt  }
0x42: {  	_ =	shalt  }
0x43: {  	_ =	shalt  }
0x44: {  	_ =	shalt  }
0x45: {  	_ =	shalt  }
0x46: {  	_ =	shalt  }
0x47: {  	_ =	shalt  }
0x48: {  	_ =	shalt  }
0x49: {  	_ =	shalt  }
0x4a: {  	_ =	shalt  }
0x4b: {  	_ =	shalt  }
0x4c: {  	_ =	shalt  }
0x4d: {  	_ =	shalt  }
0x4e: {  	_ =	shalt  }
0x4f: {  	_ =	shalt  }
0x50: {  	_ =	shalt  }
0x51: {  	_ =	shalt  }
0x52: {  	_ =	shalt  }
0x53: {  	_ =	shalt  }
0x54: {  	_ =	shalt  }
0x55: {  	_ =	shalt  }
0x56: {  	_ =	shalt  }
0x57: {  	_ =	shalt  }
0x58: {  	_ =	shalt  }
0x59: {  	_ =	shalt  }
0x5a: {  	_ =	shalt  }
0x5b: {  	_ =	shalt  }
0x5c: {  	_ =	shalt  }
0x5d: {  	_ =	shalt  }
0x5e: {  	_ =	shalt  }
0x5f: {  	_ =	shalt  }
0x60: {  	_ =	shalt  }
0x61: {  	_ =	shalt  }
0x62: {  	_ =	shalt  }
0x63: {  	_ =	shalt  }
0x64: {  	_ =	shalt  }
0x65: {  	_ =	shalt  }
0x66: {  	_ =	shalt  }
0x67: {  	_ =	shalt  }
0x68: {  	_ =	shalt  }
0x69: {  	_ =	shalt  }
0x6a: {  	_ =	shalt  }
0x6b: {  	_ =	shalt  }
0x6c: {  	_ =	shalt  }
0x6d: {  	_ =	shalt  }
0x6e: {  	_ =	shalt  }
0x6f: {  	_ =	shalt  }
0x70: {  	_ =	shalt  }
0x71: {  	_ =	shalt  }
0x72: {  	_ =	shalt  }
0x73: {  	_ =	shalt  }
0x74: {  	_ =	shalt  }
0x75: {  	_ =	shalt  }
0x76: {  	_ =	shalt  }
0x77: {  	_ =	shalt  }
0x78: {  	_ =	shalt  }
0x79: {  	_ =	shalt  }
0x7a: {  	_ =	shalt  }
0x7b: {  	_ =	shalt  }
0x7c: {  	_ =	shalt  }
0x7d: {  	_ =	shalt  }
0x7e: {  	_ =	shalt  }
0x7f: {  	_ =	shalt  }
0x80: {  	_ =	shalt  }
0x81: {  	_ =	shalt  }
0x82: {  	_ =	shalt  }
0x83: {  	_ =	shalt  }
0x84: {  	_ =	shalt  }
0x85: {  	_ =	shalt  }
0x86: {  	_ =	shalt  }
0x87: {  	_ =	shalt  }
.Lfunc_end0:
.L_simem_size_0:
called_computation_lowered:
.L_overlay_start_0:
0x88: {  	s2 =	sld [smem:$0x3FD9]  }
0x89: {  	s3 =	sld [smem:$0x3FFE];
	_ =	sdelay $0x1  }
0x8a: {  	s1 =	srdreg.scid  }
0x8b: {  	s0 =	sand.u32 $0x1, s1  }
0x8c: {  	s17 =	sshll.u32 s0, $0xA;
	s2 =	sadd.s32 s3, s2  }
0x8d: {  	s2 =	sadd.s32 s2, s17  }
0x8e: {  	[smem:$0x3FC6] =	sst s2  }
0x8f: {  	_ = 	snop  }
0x90: {  	s2 =	sld [smem:$0x3FC9]  }
0x91: {  	s18 =	sld [smem:$0x3FD0];
	(tm) =	ssettm $0x1  }
0x92: {  	s4 =	sld [smem:$0x3FFB];
	_ =	sdelay $0x3  }
0x93: {  	_ =	strace s4  }
0x94: {  	s4 =	sld [smem:$0x3FFC];
	_ =	sdelay $0x3  }
0x95: {  	_ =	strace s4  }
0x96: {  	s4 =	sld [smem:$0x3FFD];
	_ =	sdelay $0x3  }
0x97: {  	_ =	strace s4  }
0x98: {  	_ =	strace $0x8FFFFFFF  }
0x99: {  	s19 =	sld [smem:$0x3FDB];
	_ =	sdelay $0x1  }
0x9a: {  	s5 =	simm.s32 $_scs_section_size  }
0x9b: {  	s6 =	simm.s32 $_size__tile_overlayer_lowered;
	s7 =	simm.s32 $_tile_overlayer_lowered  }
0x9c: {  	s22 =	simm.s32 $0x1BFF;
	s21 =	sshll.u32 s7, $0x1;
	s4 =	sadd.s32 s5, s19  }
0x9d: {  	s8 =	simm.s32 $0x0;
	s20 =	sshll.u32 s6, $0x1;
	s6 =	sadd.s32 s21, s4  }
0x9e: {  	[timem:s8], [sflag:s22] =	dma.local [hbm:s6], s20  }
0x9f: {  	_ =	swait.ge [sflag:s22], s20  }
0xa0: {  	s5 =	ssub.s32 $0x0, s20;
	[sflag:s22] =	ssyncset.done $0x0  }
0xa1: {  	[sflag:s22] =	ssyncadd.s32 s5;
	_ =	sdelay $0x1  }
0xa2: {  	s23 =	simm.s32 $0x1B8B  }
0xa3: {  	_ =	swait.ge [sflag:s23], $0x1  }
0xa4: {  	[sflag:s23] =	ssyncset.done $0x0  }
0xa5: {  	s25 =	simm.s32 $0x1B8E;
	s24 =	sld [smem:$0x3FFE];
	[sflag:s23] =	ssyncadd.s32 $0xFFFFFFFF  }
0xa6: {  	s26 =	simm.s32 $execute0_lowered;
	[smem:$0x3FD2] =	sst s25  }
0xa7: {  	s6 =	sshll.u32 s26, $0x1;
	_ =	strace $0x80000046;
	[dreg:$0x1] =	wrdreg $0xFFFFFFFF  }
0xa8: {  	s28 =	simm.s32 $_size_execute0_lowered;
	s4 =	sadd.s32 s4, s6;
	[dreg:$0x0] =	wrdreg $0x0  }
0xa9: {  	s6 =	sshll.u32 s28, $0x1;
	[dreg:$0x2] =	wrdreg s4  }
0xaa: {  	[dreg:$0x3] =	wrdreg s6  }
0xab: {  	[dreg:$0x4] =	wrdreg $0xC0  }
0xac: {  	_ =	task [dreg:s8], $0x5FFFF  }
0xad: {  	[dreg:$0x1] =	wrdreg $0xFFFFFFFF  }
0xae: {  	[dreg:$0x0] =	wrdreg $0x60  }
0xaf: {  	[dreg:$0x2] =	wrdreg s2  }
0xb0: {  	[dreg:$0x3] =	wrdreg s24  }
0xb1: {  	[dreg:$0x4] =	wrdreg s18  }
0xb2: {  	[dreg:$0x5] =	wrdreg $0x9  }
0xb3: {  	_ =	task.clear_ibuf [dreg:s8], $0x6FFFF;
	_ =	strace $0x90000046  }
0xb4: {  	s29 =	simm.s32 $0x9;
	_ =	strace $0x80000048  }
0xb5: {  	_ =	swait.ge [sflag:s29], $0x1  }
0xb6: {  	[sflag:s29] =	ssyncadd.s32 $0xFFFFFFFF  }
0xb7: {  	_ =	strace $0x90000048  }
0xb8: {  	_ =	sfence  }
0xb9: {  	s30 =	sld [smem:$0x0];
	_ =	sdelay $0x2  }
0xba: {  	s31 =	sshll.u32 s1, $0xD;
	s1 =	sshrl.u32 s1, $0x2  }
0xbb: {  	s3 =	sand.u32 $0x4000, s31;
	s1 =	sadd.s32 s1, s30  }
0xbc: {  	s0 =	sor.u32 s3, s0;
	s1 =	sshll.u32 s1, $0x11  }
0xbd: {  	s0 =	sor.u32 s1, s0  }
0xbe: {  	s0 =	sadd.s32 $0x8F2B, s0  }
0xbf: {  	[sflag:s0] =	ssyncadd.remote.s32 $0x1  }
0xc0: {  	_ =	sfence.sel $0xFFFF  }
0xc1: {  	[dreg:$0x0] =	wrdreg $0xFFFFFFFF;
	(pc) =	sbr.abs _section_cstart, $3  }
0xc2: {  	[dreg:$0x1] =	wrdreg $0xFFFFFFFF  }
0xc3: {  	_ =	task.clear_ibuf [dreg:s8], $0x2FFFF;
	_ =	strace $0x9FFFFFFF  }
0xc4: {  	(tm) =	ssettm $0x7FFFFFFF  }
0xc5: {  	_ =	shalt  }
tec
execute0_lowered:
.L_overlay_start_1:
0x0: {  	(tag) =	ssettag $0x1  }
0x1: {  	s0 =	rddreg [dreg:$0x0]  }
0x2: {  	s1 =	srdreg.scid;
	s3 =	rddreg [dreg:$0x1]  }
0x3: {  	s4 =	stileid.u32;
	s2 =	rddreg [dreg:$0x2]  }
0x4: {  	s6 =	simm.s32 $0x0;
	s10 =	simm.s32 $0x400;
	s11 =	simm.s32 $0x8000  }
0x5: {  	s14 =	simm.s32 $0x80;
	s15 =	simm.s32 $0x1C00;
	s16 =	simm.s32 $0x1E00  }
0x6: {  	s17 =	simm.s32 $0x1C80;
	s18 =	simm.s32 $0x5E00;
	s19 =	simm.s32 $0x1  }
0x7: {  	s20 =	simm.s32 $0x9E00;
	s21 =	simm.s32 $0x2;
	s1 =	sand.u32 $0x1, s1  }
0x8: {  	s22 =	simm.s32 $0x4;
	s4 =	sshll.u32 s4, $0xB;
	s5 =	sshll.u32 s1, $0xA  }
0x9: {  	v0 =	vlaneseq.u32;
	s23 =	simm.s32 $0xBE00;
	s1 =	ssub.s32 $0x2, s1;
	s4 =	sor.u32 s5, s4  }
0xa: {  	s24 =	simm.s32 $0x3;
	v0 =	vmul.u32 $0x80, v0;
	s7 =	sshrl.u32 s1, $0x1;
	s5 =	sshrl.u32 s4, $0x3  }
0xb: {  	[smem:$0x7FF] =	sst s6;
	s30 =	ssub.s32 s1, s7;
	s5 =	sadd.s32 s0, s5  }
0xc: {  	v1 =	vimm.s32 $0x0;
	_ =	strace $0x80000047;
	v2 =	vor.u32 $0x800, v0;
	s0 =	smax.u32 s30, $0x1;
	[dreg:$0x4] =	wrdreg s5  }
0xd: {  	s25 =	simm.s32 $0x0;
	v3 =	vor.u32 $0x1000, v0;
	v4 =	vor.u32 $0x1800, v0;
	v5 =	vor.u32 $0x2000, v0;
	s31 =	sadd.s32 $0x6000, s5;
	[dreg:$0x6] =	wrdreg s0  }
0xe: {  	s6 =	sadd.s32 $0xF42400, s3;
	s8 =	sadd.s32 $0x8000, s2;
	v6 =	vor.u32 $0x2800, v0;
	v7 =	vor.u32 $0x3000, v0;
	v8 =	vor.u32 $0x3800, v0;
	[dreg:$0x5] =	wrdreg s31  }
.LBB2_1:
0xf: {  	s0 =	simm.s32 $0x0;
	s1 =	rddreg [dreg:$0x4]  }
0x10: {  	[tilespmem:s0], [sflag:$0x5] =	stream.strided.gather [hbm4b:s1+s10], $0x1800, s11, s10, $0x38;
	[tilespmem:$0xDE00] =	vst v63  }
0x11: {  	s30 =	rddreg [dreg:$0x5];
	s3 =	simm.s32 $0x1800;
	s31 =	simm.s32 $0x5  }
0x12: {  	[tilespmem:s3], [sflag:$0x5] =	stream.linear.gather [hbm4b:s30+s0], $0x100, $0x38;
	[tilespmem:$0xDE00] =	vst v63  }
0x13: {  	_ =	swait.ge [sflag:s31], $0x1900  }
0x14: {  	[sflag:s31] =	ssyncset.done $0x0  }
0x15: {  	[sflag:s31] =	ssyncadd.s32 $0xFFFFE700  }
0x16: {  	v9 =	vld [tilespmem:$0x0];
	[tilespmem:$0x1D00] =	vst v1  }
0x17: {  	[tilespmem:$0x1D10] =	vst v1  }
0x18: {  	[tilespmem:$0x1D20] =	vst v1  }
0x19: {  	[tilespmem:$0x1D30] =	vst v1  }
0x1a: {  	v10 =	vld [tilespmem:$0x10];
	[tilespmem:$0x1D40] =	vst v1  }
0x1b: {  	[tilespmem:$0x1C00] =	vst v9;
	v9 =	vld [tilespmem:$0x50]  }
0x1c: {  	v11 =	vld [tilespmem:$0x20];
	[tilespmem:$0x1D50] =	vst v1  }
0x1d: {  	v12 =	vld [tilespmem:$0x30];
	[tilespmem:$0x1D60] =	vst v1  }
0x1e: {  	v13 =	vld [tilespmem:$0x40];
	[tilespmem:$0x1D70] =	vst v1  }
0x1f: {  	[tilespmem:$0x1C10] =	vst v10;
	v10 =	vld [tilespmem:$0x60]  }
0x20: {  	[tilespmem:$0x1C50] =	vst v9;
	v9 =	vld [tilespmem:$0x70]  }
0x21: {  	[tilespmem:$0x1C20] =	vst v11  }
0x22: {  	[tilespmem:$0x1C30] =	vst v12  }
0x23: {  	[tilespmem:$0x1C40] =	vst v13  }
0x24: {  	[tilespmem:$0x1C60] =	vst v10  }
0x25: {  	s26 =	simm.s32 $0x0;
	[tilespmem:$0x1C70] =	vst v9  }
0x26: {  	[tilespmem:s16], [sflag:$0x1] =	stream.indirect.gather [hbm4b:s6+s14], $0x80, s15, s14, $0xb8;
	[tilespmem:$0xDE00] =	vst v63  }
.LBB2_2:
0x27: {  	s0 =	sshll.u32 s26, $0xA  }
0x28: {  	s28 =	sshra.s32 s0, $0x2  }
0x29: {  	v9 =	vld [tilespmem:s28+$0x80];
	_ =	sdelay $0x3  }
0x2a: {  	[tilespmem:$0x1D80] =	vst v1  }
0x2b: {  	[tilespmem:$0x1C80] =	vst v9  }
0x2c: {  	v9 =	vld [tilespmem:s28+$0x90];
	_ =	sdelay $0x3  }
0x2d: {  	[tilespmem:$0x1D90] =	vst v1  }
0x2e: {  	[tilespmem:$0x1C90] =	vst v9  }
0x2f: {  	v9 =	vld [tilespmem:s28+$0xA0];
	_ =	sdelay $0x3  }
0x30: {  	[tilespmem:$0x1DA0] =	vst v1  }
0x31: {  	[tilespmem:$0x1CA0] =	vst v9  }
0x32: {  	v9 =	vld [tilespmem:s28+$0xB0];
	_ =	sdelay $0x3  }
0x33: {  	[tilespmem:$0x1DB0] =	vst v1  }
0x34: {  	[tilespmem:$0x1CB0] =	vst v9  }
0x35: {  	v9 =	vld [tilespmem:s28+$0xC0];
	_ =	sdelay $0x3  }
0x36: {  	[tilespmem:$0x1DC0] =	vst v1  }
0x37: {  	[tilespmem:$0x1CC0] =	vst v9  }
0x38: {  	v9 =	vld [tilespmem:s28+$0xD0];
	_ =	sdelay $0x3  }
0x39: {  	[tilespmem:$0x1DD0] =	vst v1  }
0x3a: {  	[tilespmem:$0x1CD0] =	vst v9  }
0x3b: {  	v9 =	vld [tilespmem:s28+$0xE0];
	_ =	sdelay $0x3  }
0x3c: {  	[tilespmem:$0x1DE0] =	vst v1  }
0x3d: {  	[tilespmem:$0x1CE0] =	vst v9  }
0x3e: {  	v9 =	vld [tilespmem:s28+$0xF0];
	_ =	sdelay $0x3  }
0x3f: {  	[tilespmem:$0x1DF0] =	vst v1  }
0x40: {  	[tilespmem:$0x1CF0] =	vst v9  }
0x41: {  	[tilespmem:s18], [sflag:$0x2] =	stream.indirect.gather [hbm4b:s6+s14], $0x80, s17, s14, $0xb8;
	[tilespmem:$0xDE00] =	vst v63  }
0x42: {  	_ =	swait.ge [sflag:s19], $0x4000  }
0x43: {  	p0 =	seq.s32 s26, $0x0;
	[sflag:s19] =	ssyncset.done $0x0  }
0x44: {  	s0 =	simm.s32 @!p0 $0x3;
	[sflag:s19] =	ssyncadd.s32 $0xFFFFC000  }
0x45: {  	_ =	swait.ge @!p0 [sflag:s0], $0x2000  }
0x46: {  	[sflag:s0] =	ssyncset.done @!p0 $0x0  }
0x47: {  	[sflag:s0] =	ssyncadd.s32 @!p0 $0xFFFFE000  }
0x48: {  	v16 =	vld [tilespmem:$0x1D00];
	_ =	sdelay $0x3  }
0x49: {  	s7 =	simm.s32 $0x1;
	v15 =	vld [tilespmem:$0x1D10]  }
0x4a: {  	s9 =	simm.s32 $0x3;
	v14 =	vld [tilespmem:$0x1D20];
	v10 =	vadd.s32 s7, v16  }
0x4b: {  	s3 =	simm.s32 $0x0;
	s1 =	simm.s32 $0x4;
	v13 =	vld [tilespmem:$0x1D30];
	v21 =	vadd.s32 s9, v16;
	v19 =	vadd.s32 v0, v10  }
0x4c: {  	s13 =	simm.s32 $0x7;
	v12 =	vld [tilespmem:$0x1D40];
	v9 =	vadd.s32 s3, v16;
	v22 =	vadd.s32 s1, v16;
	v21 =	vadd.s32 v0, v21  }
0x4d: {  	s5 =	simm.s32 $0x5;
	s0 =	simm.s32 $0x2;
	v11 =	vld [tilespmem:$0x1D50];
	v17 =	vadd.s32 v0, v9;
	v9 =	vadd.s32 s13, v16;
	v22 =	vadd.s32 v0, v22  }
0x4e: {  	v23 =	vadd.s32 s5, v16;
	v10 =	vld [tilespmem:$0x1D60];
	v18 =	vadd.s32 v0, v9;
	v9 =	vadd.s32 s0, v16  }
0x4f: {  	s12 =	simm.s32 $0x6;
	v23 =	vadd.s32 v0, v23;
	v20 =	vadd.s32 v0, v9;
	v9 =	vld [tilespmem:$0x1D70]  }
0x50: {  	v24 =	vadd.s32 s12, v16;
	v19 =	vld.idx.msk [tilespmem:v19+s16+$0x0], $0xffff  }
0x51: {  	v24 =	vadd.s32 v0, v24;
	v21 =	vld.idx.msk [tilespmem:v21+s16+$0x0], $0xffff  }
0x52: {  	v26 =	vadd.s32 s7, v15;
	v22 =	vld.idx.msk [tilespmem:v22+s16+$0x0], $0xffff  }
0x53: {  	v28 =	vadd.s32 s9, v15;
	v26 =	vadd.s32 v2, v26;
	v18 =	vld.idx.msk [tilespmem:v18+s16+$0x0], $0xffff  }
0x54: {  	s31 =	simm.s32 $0xA000;
	v25 =	vadd.s32 s13, v15;
	v28 =	vadd.s32 v2, v28;
	v23 =	vld.idx.msk [tilespmem:v23+s16+$0x0], $0xffff  }
0x55: {  	v29 =	vadd.s32 s1, v15;
	v25 =	vadd.s32 v2, v25;
	v20 =	vld.idx.msk [tilespmem:v20+s16+$0x0], $0xffff;
	[tilespmem:s31+$0xFFFFFE80] =	vst v19  }
0x56: {  	v27 =	vadd.s32 s0, v15;
	v29 =	vadd.s32 v2, v29;
	v24 =	vld.idx.msk [tilespmem:v24+s16+$0x0], $0xffff;
	[tilespmem:s31+$0xFFFFFF80] =	vst v21  }
0x57: {  	v30 =	vadd.s32 s5, v15;
	v27 =	vadd.s32 v2, v27;
	v17 =	vld.idx.msk [tilespmem:v17+s16+$0x0], $0xffff;
	[tilespmem:s31+$0x0] =	vst v22  }
0x58: {  	v19 =	vadd.s32 s12, v15;
	[tilespmem:s31+$0x180] =	vst v18;
	v18 =	vadd.s32 v2, v30;
	v26 =	vld.idx.msk [tilespmem:v26+s16+$0x0], $0xffff  }
0x59: {  	[tilespmem:s31+$0x80] =	vst v23;
	v19 =	vadd.s32 v2, v19;
	v30 =	vadd.s32 s3, v15;
	v28 =	vld.idx.msk [tilespmem:v28+s16+$0x0], $0xffff  }
0x5a: {  	v25 =	vld.idx.msk [tilespmem:v25+s16+$0x0], $0xffff;
	[tilespmem:s31+$0xFFFFFF00] =	vst v20;
	v20 =	vadd.s32 s13, v14;
	v21 =	vadd.s32 v2, v30  }
0x5b: {  	[tilespmem:s31+$0x100] =	vst v24;
	v29 =	vld.idx.msk [tilespmem:v29+s16+$0x0], $0xffff;
	v30 =	vadd.s32 s7, v14;
	v20 =	vadd.s32 v3, v20  }
0x5c: {  	[tilespmem:s31+$0xFFFFFE00] =	vst v17;
	v27 =	vld.idx.msk [tilespmem:v27+s16+$0x0], $0xffff;
	v22 =	vadd.s32 v3, v30;
	v30 =	vadd.s32 s0, v14  }
0x5d: {  	v23 =	vadd.s32 v3, v30;
	v30 =	vadd.s32 s9, v14;
	v18 =	vld.idx.msk [tilespmem:v18+s16+$0x0], $0xffff;
	[tilespmem:s31+$0xFFFFFE90] =	vst v26  }
0x5e: {  	v24 =	vadd.s32 v3, v30;
	v30 =	vadd.s32 s1, v14;
	v19 =	vld.idx.msk [tilespmem:v19+s16+$0x0], $0xffff;
	[tilespmem:s31+$0xFFFFFF90] =	vst v28  }
0x5f: {  	v17 =	vadd.s32 v3, v30;
	[tilespmem:s31+$0x190] =	vst v25;
	v25 =	vadd.s32 s5, v14;
	v21 =	vld.idx.msk [tilespmem:v21+s16+$0x0], $0xffff  }
0x60: {  	v30 =	vadd.s32 s3, v14;
	[tilespmem:s31+$0x10] =	vst v29;
	v20 =	vld.idx.msk [tilespmem:v20+s16+$0x0], $0xffff;
	v25 =	vadd.s32 v3, v25  }
0x61: {  	v26 =	vadd.s32 s13, v13;
	v28 =	vadd.s32 v3, v30;
	v22 =	vld.idx.msk [tilespmem:v22+s16+$0x0], $0xffff;
	[tilespmem:s31+$0xFFFFFF10] =	vst v27  }
0x62: {  	v26 =	vadd.s32 v4, v26;
	v27 =	vadd.s32 s12, v14;
	v23 =	vld.idx.msk [tilespmem:v23+s16+$0x0], $0xffff;
	[tilespmem:s31+$0x90] =	vst v18  }
0x63: {  	v30 =	vadd.s32 s7, v13;
	v27 =	vadd.s32 v3, v27;
	v24 =	vld.idx.msk [tilespmem:v24+s16+$0x0], $0xffff;
	[tilespmem:s31+$0x110] =	vst v19  }
0x64: {  	v29 =	vadd.s32 v4, v30;
	v30 =	vadd.s32 s0, v13;
	v17 =	vld.idx.msk [tilespmem:v17+s16+$0x0], $0xffff;
	[tilespmem:s31+$0xFFFFFE10] =	vst v21  }
0x65: {  	v18 =	vadd.s32 v4, v30;
	v30 =	vadd.s32 s9, v13;
	v25 =	vld.idx.msk [tilespmem:v25+s16+$0x0], $0xffff;
	[tilespmem:s31+$0x1A0] =	vst v20  }
0x66: {  	v20 =	vadd.s32 v4, v30;
	v30 =	vadd.s32 s1, v13;
	v28 =	vld.idx.msk [tilespmem:v28+s16+$0x0], $0xffff;
	[tilespmem:s31+$0xFFFFFEA0] =	vst v22  }
0x67: {  	v22 =	vadd.s32 s5, v13;
	v19 =	vld.idx.msk [tilespmem:v26+s16+$0x0], $0xffff;
	v21 =	vadd.s32 v4, v30;
	[tilespmem:s31+$0xFFFFFF20] =	vst v23  }
0x68: {  	v26 =	vld.idx.msk [tilespmem:v27+s16+$0x0], $0xffff;
	v27 =	vadd.s32 s13, v12;
	v22 =	vadd.s32 v4, v22;
	[tilespmem:s31+$0xFFFFFFA0] =	vst v24  }
0x69: {  	v29 =	vld.idx.msk [tilespmem:v29+s16+$0x0], $0xffff;
	v23 =	vadd.s32 s12, v13;
	v27 =	vadd.s32 v5, v27;
	[tilespmem:s31+$0x20] =	vst v17  }
0x6a: {  	v30 =	vadd.s32 s3, v13;
	v23 =	vadd.s32 v4, v23;
	v18 =	vld.idx.msk [tilespmem:v18+s16+$0x0], $0xffff;
	[tilespmem:s31+$0xA0] =	vst v25  }
0x6b: {  	v24 =	vadd.s32 v4, v30;
	v30 =	vadd.s32 s7, v12;
	v20 =	vld.idx.msk [tilespmem:v20+s16+$0x0], $0xffff;
	[tilespmem:s31+$0xFFFFFE20] =	vst v28  }
0x6c: {  	v17 =	vadd.s32 v5, v30;
	v30 =	vadd.s32 s0, v12;
	v21 =	vld.idx.msk [tilespmem:v21+s16+$0x0], $0xffff;
	[tilespmem:s31+$0x1B0] =	vst v19  }
0x6d: {  	v19 =	vadd.s32 v5, v30;
	v30 =	vadd.s32 s9, v12;
	v22 =	vld.idx.msk [tilespmem:v22+s16+$0x0], $0xffff;
	[tilespmem:s31+$0x120] =	vst v26  }
0x6e: {  	v28 =	vadd.s32 s1, v12;
	[tilespmem:s31+$0xFFFFFEB0] =	vst v29;
	v25 =	vld.idx.msk [tilespmem:v27+s16+$0x0], $0xffff;
	v27 =	vadd.s32 v5, v30  }
0x6f: {  	v26 =	vadd.s32 s13, v11;
	v28 =	vadd.s32 v5, v28;
	v23 =	vld.idx.msk [tilespmem:v23+s16+$0x0], $0xffff;
	[tilespmem:s31+$0xFFFFFF30] =	vst v18  }
0x70: {  	v29 =	vadd.s32 s5, v12;
	v26 =	vadd.s32 v6, v26;
	v24 =	vld.idx.msk [tilespmem:v24+s16+$0x0], $0xffff;
	[tilespmem:s31+$0xFFFFFFB0] =	vst v20  }
0x71: {  	v17 =	vld.idx.msk [tilespmem:v17+s16+$0x0], $0xffff;
	v18 =	vadd.s32 v5, v29;
	v29 =	vadd.s32 s12, v12;
	[tilespmem:s31+$0x30] =	vst v21  }
0x72: {  	v30 =	vadd.s32 s3, v12;
	v20 =	vadd.s32 v5, v29;
	v19 =	vld.idx.msk [tilespmem:v19+s16+$0x0], $0xffff;
	[tilespmem:s31+$0xB0] =	vst v22  }
0x73: {  	v29 =	vadd.s32 v5, v30;
	v30 =	vadd.s32 s7, v11;
	v27 =	vld.idx.msk [tilespmem:v27+s16+$0x0], $0xffff;
	[tilespmem:s31+$0x1C0] =	vst v25  }
0x74: {  	v25 =	vadd.s32 v6, v30;
	v30 =	vadd.s32 s0, v11;
	v28 =	vld.idx.msk [tilespmem:v28+s16+$0x0], $0xffff;
	[tilespmem:s31+$0x130] =	vst v23  }
0x75: {  	[tilespmem:s31+$0xFFFFFE30] =	vst v24;
	v24 =	vadd.s32 s1, v11;
	v21 =	vld.idx.msk [tilespmem:v26+s16+$0x0], $0xffff;
	v26 =	vadd.s32 v6, v30  }
0x76: {  	v22 =	vadd.s32 s13, v10;
	v18 =	vld.idx.msk [tilespmem:v18+s16+$0x0], $0xffff;
	[tilespmem:s31+$0xFFFFFEC0] =	vst v17;
	v17 =	vadd.s32 v6, v24  }
0x77: {  	v22 =	vadd.s32 v7, v22;
	v30 =	vadd.s32 s9, v11;
	v20 =	vld.idx.msk [tilespmem:v20+s16+$0x0], $0xffff  }
0x78: {  	v24 =	vadd.s32 s5, v11;
	v23 =	vadd.s32 v6, v30;
	v29 =	vld.idx.msk [tilespmem:v29+s16+$0x0], $0xffff  }
0x79: {  	[tilespmem:s31+$0xFFFFFF40] =	vst v19;
	v19 =	vadd.s32 v6, v24;
	v24 =	vadd.s32 s12, v11;
	v25 =	vld.idx.msk [tilespmem:v25+s16+$0x0], $0xffff  }
0x7a: {  	v30 =	vadd.s32 s3, v11;
	v24 =	vadd.s32 v6, v24;
	[tilespmem:s31+$0x40] =	vst v28;
	v26 =	vld.idx.msk [tilespmem:v26+s16+$0x0], $0xffff  }
0x7b: {  	[tilespmem:s31+$0x1D0] =	vst v21;
	v21 =	vadd.s32 v6, v30;
	v30 =	vadd.s32 s7, v10;
	v17 =	vld.idx.msk [tilespmem:v17+s16+$0x0], $0xffff  }
0x7c: {  	[tilespmem:s31+$0xFFFFFFC0] =	vst v27;
	v28 =	vadd.s32 s13, v9;
	v22 =	vld.idx.msk [tilespmem:v22+s16+$0x0], $0xffff;
	v27 =	vadd.s32 v7, v30  }
0x7d: {  	[tilespmem:s31+$0xC0] =	vst v18;
	v18 =	vadd.s32 v8, v28;
	v23 =	vld.idx.msk [tilespmem:v23+s16+$0x0], $0xffff;
	v30 =	vadd.s32 s0, v10  }
0x7e: {  	v28 =	vadd.s32 v7, v30;
	v30 =	vadd.s32 s9, v10;
	[tilespmem:s31+$0x140] =	vst v20;
	v19 =	vld.idx.msk [tilespmem:v19+s16+$0x0], $0xffff  }
0x7f: {  	[tilespmem:s31+$0xFFFFFE40] =	vst v29;
	v29 =	vadd.s32 s1, v10;
	v20 =	vadd.s32 v7, v30;
	v24 =	vld.idx.msk [tilespmem:v24+s16+$0x0], $0xffff  }
0x80: {  	[tilespmem:s31+$0xFFFFFED0] =	vst v25;
	v25 =	vadd.s32 s5, v10;
	v30 =	vld.idx.msk [tilespmem:v21+s16+$0x0], $0xffff;
	v21 =	vadd.s32 v7, v29  }
0x81: {  	v25 =	vadd.s32 v7, v25;
	v29 =	vadd.s32 s12, v10;
	v27 =	vld.idx.msk [tilespmem:v27+s16+$0x0], $0xffff;
	[tilespmem:s31+$0x1E0] =	vst v22  }
0x82: {  	s29 =	simm.s32 $0x8;
	[tilespmem:s31+$0xFFFFFF50] =	vst v26;
	v22 =	vadd.s32 s3, v10;
	v26 =	vadd.s32 v7, v29;
	v29 =	vld.idx.msk [tilespmem:v18+s16+$0x0], $0xffff  }
0x83: {  	[tilespmem:s31+$0xFFFFFFD0] =	vst v23;
	v18 =	vadd.s32 s29, v16;
	v31 =	vadd.s32 v7, v22;
	v32 =	vld.idx.msk [tilespmem:v28+s16+$0x0], $0xffff  }
0x84: {  	[tilespmem:s31+$0x50] =	vst v17;
	v23 =	vadd.s32 v0, v18;
	v18 =	vadd.s32 s7, v9;
	v22 =	vld.idx.msk [tilespmem:v20+s16+$0x0], $0xffff  }
0x85: {  	v17 =	vadd.s32 s0, v9;
	[tilespmem:s31+$0xD0] =	vst v19;
	v33 =	vadd.s32 v8, v18;
	v21 =	vld.idx.msk [tilespmem:v21+s16+$0x0], $0xffff  }
0x86: {  	v28 =	vadd.s32 v8, v17;
	[tilespmem:s31+$0x150] =	vst v24;
	v18 =	vadd.s32 s9, v9;
	v19 =	vld.idx.msk [tilespmem:v25+s16+$0x0], $0xffff  }
0x87: {  	v17 =	vadd.s32 s1, v9;
	[tilespmem:s31+$0xFFFFFE50] =	vst v30;
	v20 =	vld.idx.msk [tilespmem:v26+s16+$0x0], $0xffff;
	v26 =	vadd.s32 v8, v18  }
0x88: {  	v24 =	vadd.s32 v8, v17;
	v25 =	vadd.s32 s5, v9;
	[tilespmem:s31+$0xFFFFFEE0] =	vst v27;
	v18 =	vld.idx.msk [tilespmem:v31+s16+$0x0], $0xffff  }
0x89: {  	v27 =	vadd.s32 s12, v9;
	v25 =	vadd.s32 v8, v25;
	[tilespmem:s31+$0x1F0] =	vst v29;
	v17 =	vld.idx.msk [tilespmem:v23+s16+$0x0], $0xffff  }
0x8a: {  	s30 =	sshll.u32 s26, $0x13;
	s0 =	simm.s32 $0x10;
	s1 =	simm.s32 $0xF;
	v29 =	vadd.s32 s3, v9;
	[tilespmem:s31+$0xFFFFFF60] =	vst v32;
	v27 =	vadd.s32 v8, v27;
	v23 =	vld.idx.msk [tilespmem:v33+s16+$0x0], $0xffff  }
.LBB2_3:
0x8b: {  	p1 =	slt.u32 s0, $0x38;
	s12 =	sadd.s32 $0x1, s29;
	v30 =	vadd.s32 s1, v16;
	v29 =	vadd.s32 v8, v29;
	v28 =	vld.idx.msk [tilespmem:v28+s16+$0x0], $0xffff;
	[tilespmem:s31+$0xFFFFFFE0] =	vst v22  }
0x8c: {  	s3 =	sadd.s32 $0x2, s29;
	v22 =	vadd.s32 s12, v16;
	v30 =	vadd.s32 v0, v30;
	v26 =	vld.idx.msk [tilespmem:v26+s16+$0x0], $0xffff;
	[tilespmem:s31+$0x60] =	vst v21  }
0x8d: {  	s7 =	sadd.s32 $0x3, s29;
	v21 =	vadd.s32 v0, v22;
	v22 =	vadd.s32 s3, v16;
	v24 =	vld.idx.msk [tilespmem:v24+s16+$0x0], $0xffff;
	[tilespmem:s31+$0xE0] =	vst v19  }
0x8e: {  	s9 =	sadd.s32 $0x4, s29;
	v19 =	vadd.s32 v0, v22;
	v22 =	vadd.s32 s7, v16;
	v25 =	vld.idx.msk [tilespmem:v25+s16+$0x0], $0xffff;
	[tilespmem:s31+$0x160] =	vst v20  }
0x8f: {  	s5 =	sadd.s32 $0x5, s29;
	v20 =	vadd.s32 v0, v22;
	v22 =	vadd.s32 s9, v16;
	[tilespmem:s31+$0xFFFFFE60] =	vst v18;
	v18 =	vld.idx.msk [tilespmem:v27+s16+$0x0], $0xffff  }
0x90: {  	s13 =	sadd.s32 $0x6, s29;
	v27 =	vadd.s32 s5, v16;
	v22 =	vadd.s32 v0, v22;
	v29 =	vld.idx.msk [tilespmem:v29+s16+$0x0], $0xffff;
	[tilespmem:s31+$0xFFFFFEF0] =	vst v23  }
0x91: {  	v23 =	vadd.s32 v0, v27;
	v27 =	vadd.s32 s13, v16;
	v30 =	vld.idx.msk [tilespmem:v30+s16+$0x0], $0xffff;
	[tilespmem:s31+$0xFFFFFF70] =	vst v28  }
0x92: {  	v27 =	vadd.s32 v0, v27;
	v28 =	vadd.s32 s1, v15;
	v21 =	vld.idx.msk [tilespmem:v21+s16+$0x0], $0xffff;
	[tilespmem:s31+$0xFFFFFFF0] =	vst v26  }
0x93: {  	v26 =	vadd.s32 s12, v15;
	v28 =	vadd.s32 v2, v28;
	v19 =	vld.idx.msk [tilespmem:v19+s16+$0x0], $0xffff;
	[tilespmem:s31+$0x70] =	vst v24  }
0x94: {  	v24 =	vadd.s32 v2, v26;
	v26 =	vadd.s32 s3, v15;
	v20 =	vld.idx.msk [tilespmem:v20+s16+$0x0], $0xffff;
	[tilespmem:s31+$0xF0] =	vst v25  }
0x95: {  	v25 =	vadd.s32 v2, v26;
	v26 =	vadd.s32 s7, v15;
	v22 =	vld.idx.msk [tilespmem:v22+s16+$0x0], $0xffff;
	[tilespmem:s31+$0x170] =	vst v18  }
0x96: {  	v18 =	vadd.s32 v2, v26;
	v26 =	vadd.s32 s9, v15;
	v23 =	vld.idx.msk [tilespmem:v23+s16+$0x0], $0xffff;
	[tilespmem:s31+$0xFFFFFE70] =	vst v29;
	s31 =	sadd.s32 $0x400, s31  }
0x97: {  	v26 =	vadd.s32 v2, v26;
	v29 =	vadd.s32 s5, v15;
	v27 =	vld.idx.msk [tilespmem:v27+s16+$0x0], $0xffff;
	[tilespmem:s31+$0x180] =	vst v30  }
0x98: {  	[tilespmem:s31+$0xFFFFFE80] =	vst v21;
	v21 =	vadd.s32 v2, v29;
	v29 =	vadd.s32 s13, v15;
	v28 =	vld.idx.msk [tilespmem:v28+s16+$0x0], $0xffff  }
0x99: {  	v24 =	vld.idx.msk [tilespmem:v24+s16+$0x0], $0xffff;
	[tilespmem:s31+$0xFFFFFF00] =	vst v19;
	v19 =	vadd.s32 v2, v29;
	v29 =	vadd.s32 s1, v14  }
0x9a: {  	v30 =	vadd.s32 s29, v15;
	v25 =	vld.idx.msk [tilespmem:v25+s16+$0x0], $0xffff;
	[tilespmem:s31+$0xFFFFFF80] =	vst v20;
	v20 =	vadd.s32 v3, v29  }
0x9b: {  	v29 =	vadd.s32 v2, v30;
	v30 =	vadd.s32 s12, v14;
	v18 =	vld.idx.msk [tilespmem:v18+s16+$0x0], $0xffff;
	[tilespmem:s31+$0x0] =	vst v22  }
0x9c: {  	v22 =	vadd.s32 v3, v30;
	v30 =	vadd.s32 s3, v14;
	v26 =	vld.idx.msk [tilespmem:v26+s16+$0x0], $0xffff;
	[tilespmem:s31+$0x80] =	vst v23  }
0x9d: {  	v23 =	vadd.s32 v3, v30;
	v30 =	vadd.s32 s7, v14;
	v21 =	vld.idx.msk [tilespmem:v21+s16+$0x0], $0xffff;
	[tilespmem:s31+$0x100] =	vst v27  }
0x9e: {  	v27 =	vadd.s32 v3, v30;
	v30 =	vadd.s32 s9, v14;
	v19 =	vld.idx.msk [tilespmem:v19+s16+$0x0], $0xffff;
	[tilespmem:s31+$0x190] =	vst v28  }
0x9f: {  	v28 =	vadd.s32 s5, v14;
	[tilespmem:s31+$0xFFFFFE00] =	vst v17;
	v17 =	vadd.s32 v3, v30;
	v20 =	vld.idx.msk [tilespmem:v20+s16+$0x0], $0xffff  }
0xa0: {  	v29 =	vld.idx.msk [tilespmem:v29+s16+$0x0], $0xffff;
	[tilespmem:s31+$0xFFFFFE90] =	vst v24;
	v24 =	vadd.s32 v3, v28;
	v28 =	vadd.s32 s1, v13  }
0xa1: {  	v22 =	vld.idx.msk [tilespmem:v22+s16+$0x0], $0xffff;
	[tilespmem:s31+$0xFFFFFF10] =	vst v25;
	v25 =	vadd.s32 s13, v14;
	v28 =	vadd.s32 v4, v28  }
0xa2: {  	v30 =	vadd.s32 s29, v14;
	v23 =	vld.idx.msk [tilespmem:v23+s16+$0x0], $0xffff;
	[tilespmem:s31+$0xFFFFFF90] =	vst v18;
	v18 =	vadd.s32 v3, v25  }
0xa3: {  	v25 =	vadd.s32 v3, v30;
	v30 =	vadd.s32 s12, v13;
	v27 =	vld.idx.msk [tilespmem:v27+s16+$0x0], $0xffff;
	[tilespmem:s31+$0x10] =	vst v26  }
0xa4: {  	v26 =	vadd.s32 v4, v30;
	v30 =	vadd.s32 s3, v13;
	v17 =	vld.idx.msk [tilespmem:v17+s16+$0x0], $0xffff;
	[tilespmem:s31+$0x90] =	vst v21  }
0xa5: {  	v21 =	vadd.s32 v4, v30;
	v30 =	vadd.s32 s7, v13;
	v24 =	vld.idx.msk [tilespmem:v24+s16+$0x0], $0xffff;
	[tilespmem:s31+$0x1A0] =	vst v20  }
0xa6: {  	v20 =	vadd.s32 v4, v30;
	v30 =	vadd.s32 s9, v13;
	[tilespmem:s31+$0x110] =	vst v19;
	v19 =	vld.idx.msk [tilespmem:v28+s16+$0x0], $0xffff  }
0xa7: {  	v28 =	vadd.s32 v4, v30;
	[tilespmem:s31+$0xFFFFFE10] =	vst v29;
	v18 =	vld.idx.msk [tilespmem:v18+s16+$0x0], $0xffff;
	v29 =	vadd.s32 s1, v12  }
0xa8: {  	v25 =	vld.idx.msk [tilespmem:v25+s16+$0x0], $0xffff;
	[tilespmem:s31+$0xFFFFFEA0] =	vst v22;
	v22 =	vadd.s32 s5, v13;
	v29 =	vadd.s32 v5, v29  }
0xa9: {  	v26 =	vld.idx.msk [tilespmem:v26+s16+$0x0], $0xffff;
	[tilespmem:s31+$0xFFFFFF20] =	vst v23;
	v22 =	vadd.s32 v4, v22;
	v23 =	vadd.s32 s13, v13  }
0xaa: {  	v30 =	vadd.s32 s29, v13;
	v21 =	vld.idx.msk [tilespmem:v21+s16+$0x0], $0xffff;
	[tilespmem:s31+$0xFFFFFFA0] =	vst v27;
	v23 =	vadd.s32 v4, v23  }
0xab: {  	v27 =	vadd.s32 v4, v30;
	v30 =	vadd.s32 s12, v12;
	v20 =	vld.idx.msk [tilespmem:v20+s16+$0x0], $0xffff;
	[tilespmem:s31+$0x20] =	vst v17  }
0xac: {  	v17 =	vadd.s32 v5, v30;
	v30 =	vadd.s32 s3, v12;
	v28 =	vld.idx.msk [tilespmem:v28+s16+$0x0], $0xffff;
	[tilespmem:s31+$0x1B0] =	vst v19  }
0xad: {  	v19 =	vadd.s32 v5, v30;
	v30 =	vadd.s32 s7, v12;
	[tilespmem:s31+$0xA0] =	vst v24;
	v24 =	vld.idx.msk [tilespmem:v29+s16+$0x0], $0xffff  }
0xae: {  	v29 =	vadd.s32 v5, v30;
	v22 =	vld.idx.msk [tilespmem:v22+s16+$0x0], $0xffff;
	[tilespmem:s31+$0x120] =	vst v18;
	v18 =	vadd.s32 s1, v11  }
0xaf: {  	[tilespmem:s31+$0xFFFFFE20] =	vst v25;
	v25 =	vadd.s32 s9, v12;
	v23 =	vld.idx.msk [tilespmem:v23+s16+$0x0], $0xffff;
	v18 =	vadd.s32 v6, v18  }
0xb0: {  	v27 =	vld.idx.msk [tilespmem:v27+s16+$0x0], $0xffff;
	[tilespmem:s31+$0xFFFFFEB0] =	vst v26;
	v25 =	vadd.s32 v5, v25;
	v26 =	vadd.s32 s5, v12  }
0xb1: {  	v17 =	vld.idx.msk [tilespmem:v17+s16+$0x0], $0xffff;
	[tilespmem:s31+$0xFFFFFF30] =	vst v21;
	v21 =	vadd.s32 v5, v26;
	v26 =	vadd.s32 s13, v12  }
0xb2: {  	v30 =	vadd.s32 s29, v12;
	v19 =	vld.idx.msk [tilespmem:v19+s16+$0x0], $0xffff;
	[tilespmem:s31+$0xFFFFFFB0] =	vst v20;
	v20 =	vadd.s32 v5, v26  }
0xb3: {  	v26 =	vadd.s32 v5, v30;
	v30 =	vadd.s32 s12, v11;
	v29 =	vld.idx.msk [tilespmem:v29+s16+$0x0], $0xffff;
	[tilespmem:s31+$0x1C0] =	vst v24  }
0xb4: {  	v24 =	vadd.s32 v6, v30;
	v30 =	vadd.s32 s3, v11;
	[tilespmem:s31+$0x30] =	vst v28;
	v18 =	vld.idx.msk [tilespmem:v18+s16+$0x0], $0xffff  }
0xb5: {  	v28 =	vadd.s32 v6, v30;
	v25 =	vld.idx.msk [tilespmem:v25+s16+$0x0], $0xffff;
	[tilespmem:s31+$0xB0] =	vst v22;
	v22 =	vadd.s32 s1, v10  }
0xb6: {  	v30 =	vadd.s32 s7, v11;
	v21 =	vld.idx.msk [tilespmem:v21+s16+$0x0], $0xffff;
	[tilespmem:s31+$0x130] =	vst v23;
	v22 =	vadd.s32 v7, v22  }
0xb7: {  	v23 =	vadd.s32 v6, v30;
	[tilespmem:s31+$0xFFFFFE30] =	vst v27;
	v27 =	vadd.s32 s9, v11;
	v20 =	vld.idx.msk [tilespmem:v20+s16+$0x0], $0xffff  }
0xb8: {  	v26 =	vld.idx.msk [tilespmem:v26+s16+$0x0], $0xffff;
	[tilespmem:s31+$0xFFFFFEC0] =	vst v17;
	v17 =	vadd.s32 v6, v27;
	v27 =	vadd.s32 s5, v11  }
0xb9: {  	v24 =	vld.idx.msk [tilespmem:v24+s16+$0x0], $0xffff;
	[tilespmem:s31+$0xFFFFFF40] =	vst v19;
	v19 =	vadd.s32 v6, v27;
	v27 =	vadd.s32 s13, v11  }
0xba: {  	v30 =	vadd.s32 s29, v11;
	v28 =	vld.idx.msk [tilespmem:v28+s16+$0x0], $0xffff;
	v27 =	vadd.s32 v6, v27;
	[tilespmem:s31+$0x1D0] =	vst v18  }
0xbb: {  	v18 =	vadd.s32 v6, v30;
	v30 =	vadd.s32 s12, v10;
	[tilespmem:s31+$0xFFFFFFC0] =	vst v29;
	v22 =	vld.idx.msk [tilespmem:v22+s16+$0x0], $0xffff  }
0xbc: {  	v29 =	vadd.s32 v7, v30;
	v23 =	vld.idx.msk [tilespmem:v23+s16+$0x0], $0xffff;
	[tilespmem:s31+$0x40] =	vst v25;
	v25 =	vadd.s32 s1, v9  }
0xbd: {  	v30 =	vadd.s32 s3, v10;
	v17 =	vld.idx.msk [tilespmem:v17+s16+$0x0], $0xffff;
	[tilespmem:s31+$0xC0] =	vst v21;
	v21 =	vadd.s32 v8, v25  }
0xbe: {  	v25 =	vadd.s32 v7, v30;
	v30 =	vadd.s32 s7, v10;
	v19 =	vld.idx.msk [tilespmem:v19+s16+$0x0], $0xffff;
	[tilespmem:s31+$0x140] =	vst v20  }
0xbf: {  	v20 =	vadd.s32 v7, v30;
	[tilespmem:s31+$0xFFFFFE40] =	vst v26;
	v26 =	vadd.s32 s9, v10;
	v27 =	vld.idx.msk [tilespmem:v27+s16+$0x0], $0xffff  }
0xc0: {  	v18 =	vld.idx.msk [tilespmem:v18+s16+$0x0], $0xffff;
	[tilespmem:s31+$0xFFFFFED0] =	vst v24;
	v24 =	vadd.s32 v7, v26;
	v26 =	vadd.s32 s5, v10  }
0xc1: {  	v30 =	vadd.s32 s13, v10;
	v29 =	vld.idx.msk [tilespmem:v29+s16+$0x0], $0xffff;
	v26 =	vadd.s32 v7, v26;
	[tilespmem:s31+$0x1E0] =	vst v22  }
0xc2: {  	v30 =	vadd.s32 v7, v30;
	v22 =	vadd.s32 s29, v10;
	[tilespmem:s31+$0xFFFFFF50] =	vst v28;
	v31 =	vld.idx.msk [tilespmem:v21+s16+$0x0], $0xffff  }
0xc3: {  	v21 =	vadd.s32 s0, v16;
	v32 =	vadd.s32 v7, v22;
	v33 =	vld.idx.msk [tilespmem:v25+s16+$0x0], $0xffff;
	[tilespmem:s31+$0xFFFFFFD0] =	vst v23  }
0xc4: {  	v23 =	vadd.s32 v0, v21;
	v21 =	vadd.s32 s12, v9;
	v22 =	vld.idx.msk [tilespmem:v20+s16+$0x0], $0xffff;
	[tilespmem:s31+$0x50] =	vst v17  }
0xc5: {  	v34 =	vadd.s32 v8, v21;
	v17 =	vadd.s32 s3, v9;
	v21 =	vld.idx.msk [tilespmem:v24+s16+$0x0], $0xffff;
	[tilespmem:s31+$0xD0] =	vst v19  }
.Ltmp0:
0xc6: {  	v28 =	vadd.s32 v8, v17;
	v17 =	vadd.s32 s7, v9;
	v19 =	vld.idx.msk [tilespmem:v26+s16+$0x0], $0xffff;
	[tilespmem:s31+$0x150] =	vst v27;
	(pc) =	sbr.rel @p1 .LBB2_3-.Ltmp0, $4  }
0xc7: {  	v26 =	vadd.s32 v8, v17;
	v17 =	vadd.s32 s9, v9;
	[tilespmem:s31+$0xFFFFFE50] =	vst v18;
	v20 =	vld.idx.msk [tilespmem:v30+s16+$0x0], $0xffff  }
0xc8: {  	v25 =	vadd.s32 s5, v9;
	v24 =	vadd.s32 v8, v17;
	v18 =	vld.idx.msk [tilespmem:v32+s16+$0x0], $0xffff;
	[tilespmem:s31+$0x1F0] =	vst v31  }
0xc9: {  	v25 =	vadd.s32 v8, v25;
	v27 =	vadd.s32 s13, v9;
	v17 =	vld.idx.msk [tilespmem:v23+s16+$0x0], $0xffff;
	[tilespmem:s31+$0xFFFFFEE0] =	vst v29  }
0xca: {  	s1 =	sadd.s32 $0x7, s0;
	v27 =	vadd.s32 v8, v27;
	v29 =	vadd.s32 s29, v9;
	s29 =	smov.u32 s0;
	s0 =	sadd.s32 $0x8, s0;
	v23 =	vld.idx.msk [tilespmem:v34+s16+$0x0], $0xffff;
	[tilespmem:s31+$0xFFFFFF60] =	vst v33  }
0xcb: {  	_ =	sdelay $0x1  }
0xcc: {  	[tilespmem:s31+$0xFFFFFFE0] =	vst v22  }
0xcd: {  	[tilespmem:s31+$0x60] =	vst v21  }
0xce: {  	s0 =	sadd.s32 $0x1, s29;
	v42 =	vadd.s32 s1, v16;
	v29 =	vadd.s32 v8, v29;
	v28 =	vld.idx.msk [tilespmem:v28+s16+$0x0], $0xffff;
	[tilespmem:s31+$0xE0] =	vst v19  }
0xcf: {  	s3 =	sadd.s32 $0x2, s29;
	v43 =	vadd.s32 s0, v16;
	v22 =	vadd.s32 v0, v42;
	v26 =	vld.idx.msk [tilespmem:v26+s16+$0x0], $0xffff;
	[tilespmem:s31+$0x160] =	vst v20  }
0xd0: {  	s7 =	sadd.s32 $0x3, s29;
	s5 =	sadd.s32 $0x400, s31;
	v45 =	vadd.s32 s3, v16;
	v24 =	vld.idx.msk [tilespmem:v24+s16+$0x0], $0xffff;
	v44 =	vadd.s32 v0, v43;
	[tilespmem:s31+$0xFFFFFE60] =	vst v18  }
0xd1: {  	s9 =	sadd.s32 $0x4, s29;
	s12 =	sadd.s32 $0x5, s29;
	v52 =	vadd.s32 s1, v15;
	v47 =	vadd.s32 s7, v16;
	v25 =	vld.idx.msk [tilespmem:v25+s16+$0x0], $0xffff;
	v46 =	vadd.s32 v0, v45;
	[tilespmem:s5+$0xFFFFFE00] =	vst v17  }
0xd2: {  	s13 =	sadd.s32 $0x6, s29;
	v49 =	vadd.s32 s9, v16;
	v50 =	vadd.s32 s12, v16;
	v48 =	vadd.s32 v0, v47;
	v27 =	vld.idx.msk [tilespmem:v27+s16+$0x0], $0xffff;
	[tilespmem:s31+$0xFFFFFEF0] =	vst v23  }
0xd3: {  	v51 =	vadd.s32 s13, v16;
	v54 =	vadd.s32 s0, v15;
	v21 =	vadd.s32 v0, v49;
	v29 =	vld.idx.msk [tilespmem:v29+s16+$0x0], $0xffff;
	[tilespmem:s31+$0xFFFFFF70] =	vst v28  }
0xd4: {  	v55 =	vadd.s32 s3, v15;
	v56 =	vadd.s32 s7, v15;
	v16 =	vadd.s32 v0, v51;
	v22 =	vld.idx.msk [tilespmem:v22+s16+$0x0], $0xffff;
	[tilespmem:s31+$0xFFFFFFF0] =	vst v26  }
0xd5: {  	v58 =	vadd.s32 s9, v15;
	v23 =	vadd.s32 v0, v50;
	v28 =	vadd.s32 s29, v15;
	[tilespmem:s31+$0x70] =	vst v24;
	v19 =	vld.idx.msk [tilespmem:v44+s16+$0x0], $0xffff  }
0xd6: {  	v60 =	vadd.s32 s12, v15;
	v63 =	vadd.s32 s13, v15;
	[tilespmem:s31+$0xF0] =	vst v25;
	v15 =	vadd.s32 v2, v28;
	v20 =	vld.idx.msk [tilespmem:v46+s16+$0x0], $0xffff  }
0xd7: {  	v53 =	vadd.s32 v2, v52;
	v18 =	vld.idx.msk [tilespmem:v48+s16+$0x0], $0xffff;
	[tilespmem:s31+$0x170] =	vst v27  }
0xd8: {  	v25 =	vadd.s32 v2, v54;
	v21 =	vld.idx.msk [tilespmem:v21+s16+$0x0], $0xffff;
	[tilespmem:s31+$0xFFFFFE70] =	vst v29  }
0xd9: {  	v26 =	vadd.s32 v2, v55;
	v16 =	vld.idx.msk [tilespmem:v16+s16+$0x0], $0xffff;
	[tilespmem:s5+$0x180] =	vst v22  }
0xda: {  	v57 =	vadd.s32 v2, v56;
	v23 =	vld.idx.msk [tilespmem:v23+s16+$0x0], $0xffff;
	[tilespmem:s5+$0xFFFFFE80] =	vst v19  }
0xdb: {  	v62 =	vadd.s32 s1, v14;
	v40 =	vadd.s32 s29, v14;
	v59 =	vadd.s32 v2, v58;
	v15 =	vld.idx.msk [tilespmem:v15+s16+$0x0], $0xffff;
	[tilespmem:s5+$0xFFFFFF00] =	vst v20  }
0xdc: {  	v30 =	vadd.s32 s0, v14;
	v32 =	vadd.s32 s3, v14;
	v61 =	vadd.s32 v2, v60;
	v24 =	vld.idx.msk [tilespmem:v53+s16+$0x0], $0xffff;
	[tilespmem:s5+$0xFFFFFF80] =	vst v18  }
0xdd: {  	v33 =	vadd.s32 s7, v14;
	v35 =	vadd.s32 s9, v14;
	[tilespmem:s5+$0x0] =	vst v21;
	v18 =	vadd.s32 v2, v63;
	v25 =	vld.idx.msk [tilespmem:v25+s16+$0x0], $0xffff  }
0xde: {  	v38 =	vadd.s32 s12, v14;
	v39 =	vadd.s32 s13, v14;
	v14 =	vadd.s32 v3, v40;
	[tilespmem:s5+$0x100] =	vst v16;
	v29 =	vld.idx.msk [tilespmem:v26+s16+$0x0], $0xffff  }
0xdf: {  	v27 =	vadd.s32 v3, v62;
	v22 =	vld.idx.msk [tilespmem:v57+s16+$0x0], $0xffff;
	[tilespmem:s5+$0x80] =	vst v23  }
0xe0: {  	v31 =	vadd.s32 v3, v30;
	v19 =	vld.idx.msk [tilespmem:v59+s16+$0x0], $0xffff;
	[tilespmem:s5+$0xFFFFFE10] =	vst v15  }
0xe1: {  	v23 =	vadd.s32 v3, v32;
	v20 =	vld.idx.msk [tilespmem:v61+s16+$0x0], $0xffff;
	[tilespmem:s5+$0x190] =	vst v24  }
0xe2: {  	v34 =	vadd.s32 v3, v33;
	v18 =	vld.idx.msk [tilespmem:v18+s16+$0x0], $0xffff;
	[tilespmem:s5+$0xFFFFFE90] =	vst v25  }
0xe3: {  	v37 =	vadd.s32 s1, v13;
	v42 =	vadd.s32 s0, v13;
	v21 =	vadd.s32 v3, v38;
	v14 =	vld.idx.msk [tilespmem:v14+s16+$0x0], $0xffff;
	[tilespmem:s5+$0xFFFFFF10] =	vst v29  }
0xe4: {  	v52 =	vadd.s32 s13, v13;
	v43 =	vadd.s32 s3, v13;
	v24 =	vadd.s32 v3, v35;
	v36 =	vld.idx.msk [tilespmem:v27+s16+$0x0], $0xffff;
	[tilespmem:s5+$0xFFFFFF90] =	vst v22  }
0xe5: {  	v45 =	vadd.s32 s7, v13;
	v53 =	vadd.s32 s29, v13;
	[tilespmem:s5+$0x10] =	vst v19;
	v22 =	vadd.s32 v3, v39;
	v16 =	vld.idx.msk [tilespmem:v31+s16+$0x0], $0xffff  }
0xe6: {  	v49 =	vadd.s32 s9, v13;
	v50 =	vadd.s32 s12, v13;
	v13 =	vadd.s32 v4, v53;
	v41 =	vld.idx.msk [tilespmem:v23+s16+$0x0], $0xffff;
	[tilespmem:s5+$0x90] =	vst v20  }
0xe7: {  	v25 =	vadd.s32 v4, v37;
	v17 =	vld.idx.msk [tilespmem:v34+s16+$0x0], $0xffff;
	[tilespmem:s5+$0x110] =	vst v18  }
0xe8: {  	v20 =	vadd.s32 v4, v42;
	v46 =	vld.idx.msk [tilespmem:v21+s16+$0x0], $0xffff;
	[tilespmem:s5+$0xFFFFFE20] =	vst v14  }
0xe9: {  	v44 =	vadd.s32 v4, v43;
	v24 =	vld.idx.msk [tilespmem:v24+s16+$0x0], $0xffff;
	[tilespmem:s5+$0x1A0] =	vst v36  }
0xea: {  	v56 =	vadd.s32 s3, v12;
	v60 =	vadd.s32 s9, v12;
	v47 =	vadd.s32 v4, v45;
	v22 =	vld.idx.msk [tilespmem:v22+s16+$0x0], $0xffff;
	[tilespmem:s5+$0xFFFFFEA0] =	vst v16  }
0xeb: {  	v54 =	vadd.s32 s0, v12;
	v48 =	vadd.s32 s1, v12;
	v19 =	vadd.s32 v4, v50;
	v13 =	vld.idx.msk [tilespmem:v13+s16+$0x0], $0xffff;
	[tilespmem:s5+$0xFFFFFF20] =	vst v41  }
0xec: {  	v62 =	vadd.s32 s13, v12;
	v63 =	vadd.s32 s29, v12;
	v25 =	vld.idx.msk [tilespmem:v25+s16+$0x0], $0xffff;
	v16 =	vadd.s32 v4, v49;
	[tilespmem:s5+$0xFFFFFFA0] =	vst v17  }
0xed: {  	v59 =	vadd.s32 s7, v12;
	v61 =	vadd.s32 s12, v12;
	v12 =	vadd.s32 v5, v63;
	v51 =	vld.idx.msk [tilespmem:v20+s16+$0x0], $0xffff;
	[tilespmem:s5+$0xA0] =	vst v46  }
0xee: {  	v23 =	vadd.s32 v5, v48;
	v18 =	vld.idx.msk [tilespmem:v44+s16+$0x0], $0xffff;
	[tilespmem:s5+$0x20] =	vst v24  }
0xef: {  	v20 =	vadd.s32 v4, v52;
	v21 =	vld.idx.msk [tilespmem:v47+s16+$0x0], $0xffff;
	[tilespmem:s5+$0x120] =	vst v22  }
0xf0: {  	v55 =	vadd.s32 v5, v54;
	v19 =	vld.idx.msk [tilespmem:v19+s16+$0x0], $0xffff;
	[tilespmem:s5+$0xFFFFFE30] =	vst v13  }
0xf1: {  	v58 =	vadd.s32 s1, v11;
	v33 =	vadd.s32 s13, v11;
	v57 =	vadd.s32 v5, v56;
	[tilespmem:s5+$0x1B0] =	vst v25;
	v16 =	vld.idx.msk [tilespmem:v16+s16+$0x0], $0xffff  }
0xf2: {  	v32 =	vadd.s32 s12, v11;
	v27 =	vadd.s32 s3, v11;
	v14 =	vadd.s32 v5, v59;
	v12 =	vld.idx.msk [tilespmem:v12+s16+$0x0], $0xffff;
	[tilespmem:s5+$0xFFFFFEB0] =	vst v51  }
0xf3: {  	v29 =	vadd.s32 s7, v11;
	v31 =	vadd.s32 s9, v11;
	v17 =	vadd.s32 v5, v60;
	v23 =	vld.idx.msk [tilespmem:v23+s16+$0x0], $0xffff;
	[tilespmem:s5+$0xFFFFFF30] =	vst v18  }
0xf4: {  	v25 =	vadd.s32 s0, v11;
	v11 =	vadd.s32 s29, v11;
	v20 =	vld.idx.msk [tilespmem:v20+s16+$0x0], $0xffff;
	[tilespmem:s5+$0xFFFFFFB0] =	vst v21;
	v18 =	vadd.s32 v5, v61  }
0xf5: {  	v11 =	vadd.s32 v6, v11;
	v15 =	vld.idx.msk [tilespmem:v55+s16+$0x0], $0xffff;
	[tilespmem:s5+$0xB0] =	vst v19  }
0xf6: {  	v24 =	vadd.s32 v6, v58;
	v22 =	vld.idx.msk [tilespmem:v57+s16+$0x0], $0xffff;
	[tilespmem:s5+$0x30] =	vst v16  }
0xf7: {  	v21 =	vadd.s32 v5, v62;
	v14 =	vld.idx.msk [tilespmem:v14+s16+$0x0], $0xffff;
	[tilespmem:s5+$0xFFFFFE40] =	vst v12  }
0xf8: {  	v28 =	vadd.s32 v6, v27;
	[tilespmem:s5+$0x1C0] =	vst v23;
	v17 =	vld.idx.msk [tilespmem:v17+s16+$0x0], $0xffff  }
0xf9: {  	v45 =	vadd.s32 s13, v10;
	v43 =	vadd.s32 s12, v10;
	v30 =	vadd.s32 v6, v29;
	[tilespmem:s5+$0x130] =	vst v20;
	v18 =	vld.idx.msk [tilespmem:v18+s16+$0x0], $0xffff  }
0xfa: {  	v26 =	vadd.s32 s1, v10;
	v37 =	vadd.s32 s3, v10;
	v16 =	vadd.s32 v6, v25;
	v11 =	vld.idx.msk [tilespmem:v11+s16+$0x0], $0xffff;
	[tilespmem:s5+$0xFFFFFEC0] =	vst v15  }
0xfb: {  	v39 =	vadd.s32 s7, v10;
	v36 =	vadd.s32 s0, v10;
	v20 =	vadd.s32 v6, v31;
	v23 =	vld.idx.msk [tilespmem:v24+s16+$0x0], $0xffff;
	[tilespmem:s5+$0xFFFFFF40] =	vst v22  }
0xfc: {  	v41 =	vadd.s32 s9, v10;
	v10 =	vadd.s32 s29, v10;
	v21 =	vld.idx.msk [tilespmem:v21+s16+$0x0], $0xffff;
	v22 =	vadd.s32 v6, v32;
	[tilespmem:s5+$0xFFFFFFC0] =	vst v14  }
0xfd: {  	v10 =	vadd.s32 v7, v10;
	v13 =	vld.idx.msk [tilespmem:v28+s16+$0x0], $0xffff;
	[tilespmem:s5+$0x40] =	vst v17  }
0xfe: {  	v19 =	vadd.s32 v7, v26;
	v15 =	vld.idx.msk [tilespmem:v30+s16+$0x0], $0xffff;
	[tilespmem:s5+$0xC0] =	vst v18  }
0xff: {  	v34 =	vadd.s32 v6, v33;
	v16 =	vld.idx.msk [tilespmem:v16+s16+$0x0], $0xffff;
	[tilespmem:s5+$0xFFFFFE50] =	vst v11  }
0x100: {  	v38 =	vadd.s32 v7, v37;
	[tilespmem:s5+$0x1D0] =	vst v23;
	v20 =	vld.idx.msk [tilespmem:v20+s16+$0x0], $0xffff  }
0x101: {  	v54 =	vadd.s32 s9, v9;
	v35 =	vadd.s32 s1, v9;
	v40 =	vadd.s32 v7, v39;
	[tilespmem:s5+$0x140] =	vst v21;
	v22 =	vld.idx.msk [tilespmem:v22+s16+$0x0], $0xffff  }
0x102: {  	v48 =	vadd.s32 s0, v9;
	v59 =	vadd.s32 s13, v9;
	v18 =	vadd.s32 v7, v36;
	v10 =	vld.idx.msk [tilespmem:v10+s16+$0x0], $0xffff;
	[tilespmem:s5+$0xFFFFFF50] =	vst v13  }
0x103: {  	v49 =	vadd.s32 s3, v9;
	v42 =	vadd.s32 v7, v41;
	v52 =	vadd.s32 s7, v9;
	v19 =	vld.idx.msk [tilespmem:v19+s16+$0x0], $0xffff;
	[tilespmem:s5+$0xFFFFFFD0] =	vst v15  }
0x104: {  	v44 =	vadd.s32 v7, v43;
	v57 =	vadd.s32 s12, v9;
	v9 =	vadd.s32 s29, v9;
	v14 =	vld.idx.msk [tilespmem:v34+s16+$0x0], $0xffff;
	[tilespmem:s5+$0xFFFFFED0] =	vst v16  }
0x105: {  	v9 =	vadd.s32 v8, v9;
	v12 =	vld.idx.msk [tilespmem:v38+s16+$0x0], $0xffff;
	[tilespmem:s5+$0x50] =	vst v20  }
0x106: {  	v17 =	vadd.s32 v8, v35;
	v16 =	vld.idx.msk [tilespmem:v40+s16+$0x0], $0xffff;
	[tilespmem:s5+$0xD0] =	vst v22  }
0x107: {  	v47 =	vadd.s32 v7, v45;
	v46 =	vld.idx.msk [tilespmem:v18+s16+$0x0], $0xffff;
	[tilespmem:s5+$0xFFFFFE60] =	vst v10  }
0x108: {  	v51 =	vadd.s32 v8, v49;
	[tilespmem:s5+$0x1E0] =	vst v19;
	v50 =	vld.idx.msk [tilespmem:v42+s16+$0x0], $0xffff  }
0x109: {  	v53 =	vadd.s32 v8, v52;
	[tilespmem:s5+$0x150] =	vst v14;
	v11 =	vld.idx.msk [tilespmem:v44+s16+$0x0], $0xffff  }
0x10a: {  	v20 =	vadd.s32 v8, v48;
	v9 =	vld.idx.msk [tilespmem:v9+s16+$0x0], $0xffff;
	[tilespmem:s5+$0xFFFFFF60] =	vst v12  }
0x10b: {  	v56 =	vadd.s32 v8, v54;
	v17 =	vld.idx.msk [tilespmem:v17+s16+$0x0], $0xffff;
	[tilespmem:s5+$0xFFFFFFE0] =	vst v16  }
0x10c: {  	v58 =	vadd.s32 v8, v57;
	v55 =	vld.idx.msk [tilespmem:v47+s16+$0x0], $0xffff;
	[tilespmem:s5+$0xFFFFFEE0] =	vst v46  }
0x10d: {  	v61 =	vadd.s32 v8, v59;
	v62 =	vld.idx.msk [tilespmem:v51+s16+$0x0], $0xffff;
	[tilespmem:s5+$0x60] =	vst v50  }
0x10e: {  	v13 =	vld.idx.msk [tilespmem:v53+s16+$0x0], $0xffff;
	[tilespmem:s5+$0xE0] =	vst v11  }
0x10f: {  	v60 =	vld.idx.msk [tilespmem:v20+s16+$0x0], $0xffff;
	[tilespmem:s5+$0xFFFFFE70] =	vst v9  }
0x110: {  	[tilespmem:s5+$0x1F0] =	vst v17;
	v11 =	vld.idx.msk [tilespmem:v56+s16+$0x0], $0xffff  }
0x111: {  	[tilespmem:s5+$0x160] =	vst v55;
	v63 =	vld.idx.msk [tilespmem:v58+s16+$0x0], $0xffff  }
0x112: {  	v10 =	vld.idx.msk [tilespmem:v61+s16+$0x0], $0xffff;
	[tilespmem:s5+$0xFFFFFF70] =	vst v62  }
0x113: {  	p1 =	sne.s32 s26, $0x18;
	[tilespmem:s5+$0xFFFFFFF0] =	vst v13  }
.Ltmp1:
0x114: {  	[tilespmem:s5+$0xFFFFFEF0] =	vst v60;
	(pc) =	sbr.rel @p1 .LBB2_6-.Ltmp1, $4  }
0x115: {  	s31 =	sor.u32 s4, s30;
	[tilespmem:s5+$0x70] =	vst v11  }
0x116: {  	s29 =	sshrl.u32 s31, $0x3;
	[tilespmem:s5+$0xF0] =	vst v63  }
0x117: {  	s0 =	sadd.s32 s2, s29;
	[tilespmem:s5+$0x170] =	vst v10  }
0x118: {  	[hbm4b:s0+s10] =	stream.strided.scatter [tilespmem:s20], [sflag:$0x3], $0x2000, s11, s10, $0x38;
	[tilespmem:$0xDE00] =	vst v63  }
.Ltmp2:
0x119: {  	(pc) =	sbr.rel .LBB2_7-.Ltmp2, $4  }
0x11a: {  	_ = 	snop  }
0x11b: {  	_ =	swait.ge [sflag:s21], $0x4000  }
0x11c: {  	[sflag:s21] =	ssyncset.done $0x0  }
0x11d: {  	[sflag:s21] =	ssyncadd.s32 $0xFFFFC000  }
.LBB2_6:
0x11e: {  	v9 =	vld [tilespmem:s28+$0x100];
	_ =	sdelay $0x3  }
0x11f: {  	[tilespmem:$0x1D00] =	vst v1  }
0x120: {  	[tilespmem:$0x1C00] =	vst v9  }
0x121: {  	v9 =	vld [tilespmem:s28+$0x110];
	_ =	sdelay $0x3  }
0x122: {  	[tilespmem:$0x1D10] =	vst v1  }
0x123: {  	[tilespmem:$0x1C10] =	vst v9  }
0x124: {  	v9 =	vld [tilespmem:s28+$0x120];
	_ =	sdelay $0x3  }
0x125: {  	[tilespmem:$0x1D20] =	vst v1  }
0x126: {  	[tilespmem:$0x1C20] =	vst v9  }
0x127: {  	v9 =	vld [tilespmem:s28+$0x130];
	_ =	sdelay $0x3  }
0x128: {  	[tilespmem:$0x1D30] =	vst v1  }
0x129: {  	[tilespmem:$0x1C30] =	vst v9  }
0x12a: {  	v9 =	vld [tilespmem:s28+$0x140];
	_ =	sdelay $0x3  }
0x12b: {  	[tilespmem:$0x1D40] =	vst v1  }
0x12c: {  	[tilespmem:$0x1C40] =	vst v9  }
0x12d: {  	v9 =	vld [tilespmem:s28+$0x150];
	_ =	sdelay $0x3  }
0x12e: {  	[tilespmem:$0x1D50] =	vst v1  }
0x12f: {  	[tilespmem:$0x1C50] =	vst v9  }
0x130: {  	v9 =	vld [tilespmem:s28+$0x160];
	_ =	sdelay $0x3  }
0x131: {  	[tilespmem:$0x1D60] =	vst v1  }
0x132: {  	[tilespmem:$0x1C60] =	vst v9  }
0x133: {  	v9 =	vld [tilespmem:s28+$0x170];
	_ =	sdelay $0x3  }
0x134: {  	[tilespmem:$0x1D70] =	vst v1  }
.Ltmp3:
0x135: {  	[tilespmem:$0x1C70] =	vst v9;
	(pc) =	sbr.rel @p0 .LBB2_8-.Ltmp3, $4  }
0x136: {  	[tilespmem:s16], [sflag:$0x1] =	stream.indirect.gather [hbm4b:s6+s14], $0x80, s15, s14, $0xb8;
	[tilespmem:$0xDE00] =	vst v63  }
0x137: {  	_ =	swait.ge [sflag:s21], $0x4000  }
0x138: {  	[sflag:s21] =	ssyncset.done $0x0  }
0x139: {  	[sflag:s21] =	ssyncadd.s32 $0xFFFFC000  }
.LBB2_7:
0x13a: {  	_ =	swait.ge [sflag:s22], $0x2000  }
0x13b: {  	[sflag:s22] =	ssyncset.done $0x0  }
0x13c: {  	[sflag:s22] =	ssyncadd.s32 $0xFFFFE000  }
.LBB2_8:
0x13d: {  	v16 =	vld [tilespmem:$0x1D80];
	_ =	sdelay $0x3  }
0x13e: {  	v15 =	vld [tilespmem:$0x1D90];
	s7 =	simm.s32 $0x1  }
0x13f: {  	v14 =	vld [tilespmem:$0x1DA0];
	s9 =	simm.s32 $0x3;
	v10 =	vadd.s32 s7, v16  }
0x140: {  	s3 =	simm.s32 $0x0;
	v13 =	vld [tilespmem:$0x1DB0];
	s1 =	simm.s32 $0x4;
	v21 =	vadd.s32 s9, v16;
	v19 =	vadd.s32 v0, v10  }
0x141: {  	s13 =	simm.s32 $0x7;
	v12 =	vld [tilespmem:$0x1DC0];
	v9 =	vadd.s32 s3, v16;
	v22 =	vadd.s32 s1, v16;
	v21 =	vadd.s32 v0, v21  }
0x142: {  	s0 =	simm.s32 $0x2;
	v11 =	vld [tilespmem:$0x1DD0];
	s5 =	simm.s32 $0x5;
	v17 =	vadd.s32 v0, v9;
	v9 =	vadd.s32 s13, v16;
	v22 =	vadd.s32 v0, v22  }
0x143: {  	v23 =	vadd.s32 s5, v16;
	v10 =	vld [tilespmem:$0x1DE0];
	v18 =	vadd.s32 v0, v9;
	v9 =	vadd.s32 s0, v16  }
0x144: {  	s12 =	simm.s32 $0x6;
	v23 =	vadd.s32 v0, v23;
	v20 =	vadd.s32 v0, v9;
	v9 =	vld [tilespmem:$0x1DF0]  }
0x145: {  	v24 =	vadd.s32 s12, v16;
	v19 =	vld.idx.msk [tilespmem:v19+s18+$0x0], $0xffff  }
0x146: {  	v24 =	vadd.s32 v0, v24;
	v21 =	vld.idx.msk [tilespmem:v21+s18+$0x0], $0xffff  }
0x147: {  	v26 =	vadd.s32 s7, v15;
	v22 =	vld.idx.msk [tilespmem:v22+s18+$0x0], $0xffff  }
0x148: {  	v28 =	vadd.s32 s9, v15;
	v26 =	vadd.s32 v2, v26;
	v18 =	vld.idx.msk [tilespmem:v18+s18+$0x0], $0xffff  }
0x149: {  	s30 =	simm.s32 $0xC000;
	v25 =	vadd.s32 s13, v15;
	v28 =	vadd.s32 v2, v28;
	v23 =	vld.idx.msk [tilespmem:v23+s18+$0x0], $0xffff  }
0x14a: {  	v29 =	vadd.s32 s1, v15;
	v25 =	vadd.s32 v2, v25;
	v20 =	vld.idx.msk [tilespmem:v20+s18+$0x0], $0xffff;
	[tilespmem:s30+$0xFFFFFE80] =	vst v19  }
0x14b: {  	v27 =	vadd.s32 s0, v15;
	v29 =	vadd.s32 v2, v29;
	v24 =	vld.idx.msk [tilespmem:v24+s18+$0x0], $0xffff;
	[tilespmem:s30+$0xFFFFFF80] =	vst v21  }
0x14c: {  	v30 =	vadd.s32 s5, v15;
	v27 =	vadd.s32 v2, v27;
	v17 =	vld.idx.msk [tilespmem:v17+s18+$0x0], $0xffff;
	[tilespmem:s30+$0x0] =	vst v22  }
0x14d: {  	v19 =	vadd.s32 s12, v15;
	[tilespmem:s30+$0x180] =	vst v18;
	v18 =	vadd.s32 v2, v30;
	v26 =	vld.idx.msk [tilespmem:v26+s18+$0x0], $0xffff  }
0x14e: {  	[tilespmem:s30+$0x80] =	vst v23;
	v19 =	vadd.s32 v2, v19;
	v30 =	vadd.s32 s3, v15;
	v28 =	vld.idx.msk [tilespmem:v28+s18+$0x0], $0xffff  }
0x14f: {  	v25 =	vld.idx.msk [tilespmem:v25+s18+$0x0], $0xffff;
	[tilespmem:s30+$0xFFFFFF00] =	vst v20;
	v20 =	vadd.s32 s13, v14;
	v21 =	vadd.s32 v2, v30  }
0x150: {  	[tilespmem:s30+$0x100] =	vst v24;
	v29 =	vld.idx.msk [tilespmem:v29+s18+$0x0], $0xffff;
	v30 =	vadd.s32 s7, v14;
	v20 =	vadd.s32 v3, v20  }
0x151: {  	[tilespmem:s30+$0xFFFFFE00] =	vst v17;
	v27 =	vld.idx.msk [tilespmem:v27+s18+$0x0], $0xffff;
	v22 =	vadd.s32 v3, v30;
	v30 =	vadd.s32 s0, v14  }
0x152: {  	v23 =	vadd.s32 v3, v30;
	v30 =	vadd.s32 s9, v14;
	v18 =	vld.idx.msk [tilespmem:v18+s18+$0x0], $0xffff;
	[tilespmem:s30+$0xFFFFFE90] =	vst v26  }
0x153: {  	v24 =	vadd.s32 v3, v30;
	v30 =	vadd.s32 s1, v14;
	v19 =	vld.idx.msk [tilespmem:v19+s18+$0x0], $0xffff;
	[tilespmem:s30+$0xFFFFFF90] =	vst v28  }
0x154: {  	v17 =	vadd.s32 v3, v30;
	[tilespmem:s30+$0x190] =	vst v25;
	v25 =	vadd.s32 s5, v14;
	v21 =	vld.idx.msk [tilespmem:v21+s18+$0x0], $0xffff  }
0x155: {  	v30 =	vadd.s32 s3, v14;
	[tilespmem:s30+$0x10] =	vst v29;
	v20 =	vld.idx.msk [tilespmem:v20+s18+$0x0], $0xffff;
	v25 =	vadd.s32 v3, v25  }
0x156: {  	v26 =	vadd.s32 s13, v13;
	v28 =	vadd.s32 v3, v30;
	v22 =	vld.idx.msk [tilespmem:v22+s18+$0x0], $0xffff;
	[tilespmem:s30+$0xFFFFFF10] =	vst v27  }
0x157: {  	v26 =	vadd.s32 v4, v26;
	v27 =	vadd.s32 s12, v14;
	v23 =	vld.idx.msk [tilespmem:v23+s18+$0x0], $0xffff;
	[tilespmem:s30+$0x90] =	vst v18  }
0x158: {  	v30 =	vadd.s32 s7, v13;
	v27 =	vadd.s32 v3, v27;
	v24 =	vld.idx.msk [tilespmem:v24+s18+$0x0], $0xffff;
	[tilespmem:s30+$0x110] =	vst v19  }
0x159: {  	v29 =	vadd.s32 v4, v30;
	v30 =	vadd.s32 s0, v13;
	v17 =	vld.idx.msk [tilespmem:v17+s18+$0x0], $0xffff;
	[tilespmem:s30+$0xFFFFFE10] =	vst v21  }
0x15a: {  	v18 =	vadd.s32 v4, v30;
	v30 =	vadd.s32 s9, v13;
	v25 =	vld.idx.msk [tilespmem:v25+s18+$0x0], $0xffff;
	[tilespmem:s30+$0x1A0] =	vst v20  }
0x15b: {  	v20 =	vadd.s32 v4, v30;
	v30 =	vadd.s32 s1, v13;
	v28 =	vld.idx.msk [tilespmem:v28+s18+$0x0], $0xffff;
	[tilespmem:s30+$0xFFFFFEA0] =	vst v22  }
0x15c: {  	v22 =	vadd.s32 s5, v13;
	v19 =	vld.idx.msk [tilespmem:v26+s18+$0x0], $0xffff;
	v21 =	vadd.s32 v4, v30;
	[tilespmem:s30+$0xFFFFFF20] =	vst v23  }
0x15d: {  	v26 =	vld.idx.msk [tilespmem:v27+s18+$0x0], $0xffff;
	v27 =	vadd.s32 s13, v12;
	v22 =	vadd.s32 v4, v22;
	[tilespmem:s30+$0xFFFFFFA0] =	vst v24  }
0x15e: {  	v29 =	vld.idx.msk [tilespmem:v29+s18+$0x0], $0xffff;
	v23 =	vadd.s32 s12, v13;
	v27 =	vadd.s32 v5, v27;
	[tilespmem:s30+$0x20] =	vst v17  }
0x15f: {  	v30 =	vadd.s32 s3, v13;
	v23 =	vadd.s32 v4, v23;
	v18 =	vld.idx.msk [tilespmem:v18+s18+$0x0], $0xffff;
	[tilespmem:s30+$0xA0] =	vst v25  }
0x160: {  	v24 =	vadd.s32 v4, v30;
	v30 =	vadd.s32 s7, v12;
	v20 =	vld.idx.msk [tilespmem:v20+s18+$0x0], $0xffff;
	[tilespmem:s30+$0xFFFFFE20] =	vst v28  }
0x161: {  	v17 =	vadd.s32 v5, v30;
	v30 =	vadd.s32 s0, v12;
	v21 =	vld.idx.msk [tilespmem:v21+s18+$0x0], $0xffff;
	[tilespmem:s30+$0x1B0] =	vst v19  }
0x162: {  	v19 =	vadd.s32 v5, v30;
	v30 =	vadd.s32 s9, v12;
	v22 =	vld.idx.msk [tilespmem:v22+s18+$0x0], $0xffff;
	[tilespmem:s30+$0x120] =	vst v26  }
0x163: {  	v28 =	vadd.s32 s1, v12;
	[tilespmem:s30+$0xFFFFFEB0] =	vst v29;
	v25 =	vld.idx.msk [tilespmem:v27+s18+$0x0], $0xffff;
	v27 =	vadd.s32 v5, v30  }
0x164: {  	v26 =	vadd.s32 s13, v11;
	v28 =	vadd.s32 v5, v28;
	v23 =	vld.idx.msk [tilespmem:v23+s18+$0x0], $0xffff;
	[tilespmem:s30+$0xFFFFFF30] =	vst v18  }
0x165: {  	v29 =	vadd.s32 s5, v12;
	v26 =	vadd.s32 v6, v26;
	v24 =	vld.idx.msk [tilespmem:v24+s18+$0x0], $0xffff;
	[tilespmem:s30+$0xFFFFFFB0] =	vst v20  }
0x166: {  	v17 =	vld.idx.msk [tilespmem:v17+s18+$0x0], $0xffff;
	v18 =	vadd.s32 v5, v29;
	v29 =	vadd.s32 s12, v12;
	[tilespmem:s30+$0x30] =	vst v21  }
0x167: {  	v30 =	vadd.s32 s3, v12;
	v20 =	vadd.s32 v5, v29;
	v19 =	vld.idx.msk [tilespmem:v19+s18+$0x0], $0xffff;
	[tilespmem:s30+$0xB0] =	vst v22  }
0x168: {  	v29 =	vadd.s32 v5, v30;
	v30 =	vadd.s32 s7, v11;
	v27 =	vld.idx.msk [tilespmem:v27+s18+$0x0], $0xffff;
	[tilespmem:s30+$0x1C0] =	vst v25  }
0x169: {  	v25 =	vadd.s32 v6, v30;
	v30 =	vadd.s32 s0, v11;
	v28 =	vld.idx.msk [tilespmem:v28+s18+$0x0], $0xffff;
	[tilespmem:s30+$0x130] =	vst v23  }
0x16a: {  	[tilespmem:s30+$0xFFFFFE30] =	vst v24;
	v24 =	vadd.s32 s1, v11;
	v21 =	vld.idx.msk [tilespmem:v26+s18+$0x0], $0xffff;
	v26 =	vadd.s32 v6, v30  }
0x16b: {  	v22 =	vadd.s32 s13, v10;
	v18 =	vld.idx.msk [tilespmem:v18+s18+$0x0], $0xffff;
	[tilespmem:s30+$0xFFFFFEC0] =	vst v17;
	v17 =	vadd.s32 v6, v24  }
0x16c: {  	v22 =	vadd.s32 v7, v22;
	v30 =	vadd.s32 s9, v11;
	v20 =	vld.idx.msk [tilespmem:v20+s18+$0x0], $0xffff  }
0x16d: {  	v24 =	vadd.s32 s5, v11;
	v23 =	vadd.s32 v6, v30;
	v29 =	vld.idx.msk [tilespmem:v29+s18+$0x0], $0xffff  }
0x16e: {  	[tilespmem:s30+$0xFFFFFF40] =	vst v19;
	v19 =	vadd.s32 v6, v24;
	v24 =	vadd.s32 s12, v11;
	v25 =	vld.idx.msk [tilespmem:v25+s18+$0x0], $0xffff  }
0x16f: {  	v30 =	vadd.s32 s3, v11;
	v24 =	vadd.s32 v6, v24;
	[tilespmem:s30+$0x40] =	vst v28;
	v26 =	vld.idx.msk [tilespmem:v26+s18+$0x0], $0xffff  }
0x170: {  	[tilespmem:s30+$0x1D0] =	vst v21;
	v21 =	vadd.s32 v6, v30;
	v30 =	vadd.s32 s7, v10;
	v17 =	vld.idx.msk [tilespmem:v17+s18+$0x0], $0xffff  }
0x171: {  	[tilespmem:s30+$0xFFFFFFC0] =	vst v27;
	v28 =	vadd.s32 s13, v9;
	v22 =	vld.idx.msk [tilespmem:v22+s18+$0x0], $0xffff;
	v27 =	vadd.s32 v7, v30  }
0x172: {  	[tilespmem:s30+$0xC0] =	vst v18;
	v18 =	vadd.s32 v8, v28;
	v23 =	vld.idx.msk [tilespmem:v23+s18+$0x0], $0xffff;
	v30 =	vadd.s32 s0, v10  }
0x173: {  	v28 =	vadd.s32 v7, v30;
	v30 =	vadd.s32 s9, v10;
	[tilespmem:s30+$0x140] =	vst v20;
	v19 =	vld.idx.msk [tilespmem:v19+s18+$0x0], $0xffff  }
0x174: {  	[tilespmem:s30+$0xFFFFFE40] =	vst v29;
	v29 =	vadd.s32 s1, v10;
	v20 =	vadd.s32 v7, v30;
	v24 =	vld.idx.msk [tilespmem:v24+s18+$0x0], $0xffff  }
0x175: {  	[tilespmem:s30+$0xFFFFFED0] =	vst v25;
	v25 =	vadd.s32 s5, v10;
	v30 =	vld.idx.msk [tilespmem:v21+s18+$0x0], $0xffff;
	v21 =	vadd.s32 v7, v29  }
0x176: {  	v25 =	vadd.s32 v7, v25;
	v29 =	vld.idx.msk [tilespmem:v27+s18+$0x0], $0xffff;
	v27 =	vadd.s32 s12, v10;
	[tilespmem:s30+$0x1E0] =	vst v22  }
0x177: {  	s28 =	simm.s32 $0x8;
	[tilespmem:s30+$0xFFFFFF50] =	vst v26;
	v22 =	vadd.s32 s3, v10;
	v26 =	vadd.s32 v7, v27;
	v31 =	vld.idx.msk [tilespmem:v18+s18+$0x0], $0xffff  }
0x178: {  	[tilespmem:s30+$0xFFFFFFD0] =	vst v23;
	v18 =	vadd.s32 s28, v16;
	v32 =	vadd.s32 v7, v22;
	v33 =	vld.idx.msk [tilespmem:v28+s18+$0x0], $0xffff  }
0x179: {  	[tilespmem:s30+$0x50] =	vst v17;
	v23 =	vadd.s32 v0, v18;
	v18 =	vadd.s32 s7, v9;
	v22 =	vld.idx.msk [tilespmem:v20+s18+$0x0], $0xffff  }
0x17a: {  	v17 =	vadd.s32 s0, v9;
	[tilespmem:s30+$0xD0] =	vst v19;
	v34 =	vadd.s32 v8, v18;
	v21 =	vld.idx.msk [tilespmem:v21+s18+$0x0], $0xffff  }
0x17b: {  	v28 =	vadd.s32 v8, v17;
	[tilespmem:s30+$0x150] =	vst v24;
	v18 =	vadd.s32 s9, v9;
	v19 =	vld.idx.msk [tilespmem:v25+s18+$0x0], $0xffff  }
0x17c: {  	v17 =	vadd.s32 s1, v9;
	[tilespmem:s30+$0xFFFFFE50] =	vst v30;
	v27 =	vadd.s32 v8, v18;
	v20 =	vld.idx.msk [tilespmem:v26+s18+$0x0], $0xffff  }
0x17d: {  	v24 =	vadd.s32 v8, v17;
	v25 =	vadd.s32 s5, v9;
	[tilespmem:s30+$0xFFFFFEE0] =	vst v29;
	v18 =	vld.idx.msk [tilespmem:v32+s18+$0x0], $0xffff  }
0x17e: {  	v25 =	vadd.s32 v8, v25;
	[tilespmem:s30+$0x1F0] =	vst v31;
	v26 =	vadd.s32 s12, v9;
	v17 =	vld.idx.msk [tilespmem:v23+s18+$0x0], $0xffff  }
0x17f: {  	s0 =	simm.s32 $0x10;
	s1 =	simm.s32 $0xF;
	v29 =	vadd.s32 s3, v9;
	[tilespmem:s30+$0xFFFFFF60] =	vst v33;
	v26 =	vadd.s32 v8, v26;
	v23 =	vld.idx.msk [tilespmem:v34+s18+$0x0], $0xffff  }
.LBB2_9:
0x180: {  	p0 =	slt.u32 s0, $0x38;
	s12 =	sadd.s32 $0x1, s28;
	v30 =	vadd.s32 s1, v16;
	v29 =	vadd.s32 v8, v29;
	v28 =	vld.idx.msk [tilespmem:v28+s18+$0x0], $0xffff;
	[tilespmem:s30+$0xFFFFFFE0] =	vst v22  }
0x181: {  	s3 =	sadd.s32 $0x2, s28;
	v22 =	vadd.s32 s12, v16;
	v30 =	vadd.s32 v0, v30;
	v27 =	vld.idx.msk [tilespmem:v27+s18+$0x0], $0xffff;
	[tilespmem:s30+$0x60] =	vst v21  }
0x182: {  	s7 =	sadd.s32 $0x3, s28;
	v21 =	vadd.s32 v0, v22;
	v22 =	vadd.s32 s3, v16;
	v24 =	vld.idx.msk [tilespmem:v24+s18+$0x0], $0xffff;
	[tilespmem:s30+$0xE0] =	vst v19  }
0x183: {  	s9 =	sadd.s32 $0x4, s28;
	v19 =	vadd.s32 v0, v22;
	v22 =	vadd.s32 s7, v16;
	v25 =	vld.idx.msk [tilespmem:v25+s18+$0x0], $0xffff;
	[tilespmem:s30+$0x160] =	vst v20  }
0x184: {  	s5 =	sadd.s32 $0x5, s28;
	v20 =	vadd.s32 v0, v22;
	v22 =	vadd.s32 s9, v16;
	[tilespmem:s30+$0xFFFFFE60] =	vst v18;
	v18 =	vld.idx.msk [tilespmem:v26+s18+$0x0], $0xffff  }
0x185: {  	s13 =	sadd.s32 $0x6, s28;
	v26 =	vadd.s32 s5, v16;
	v22 =	vadd.s32 v0, v22;
	v29 =	vld.idx.msk [tilespmem:v29+s18+$0x0], $0xffff;
	[tilespmem:s30+$0xFFFFFEF0] =	vst v23  }
0x186: {  	v23 =	vadd.s32 v0, v26;
	v26 =	vadd.s32 s13, v16;
	v30 =	vld.idx.msk [tilespmem:v30+s18+$0x0], $0xffff;
	[tilespmem:s30+$0xFFFFFF70] =	vst v28  }
0x187: {  	v26 =	vadd.s32 v0, v26;
	v28 =	vadd.s32 s1, v15;
	v21 =	vld.idx.msk [tilespmem:v21+s18+$0x0], $0xffff;
	[tilespmem:s30+$0xFFFFFFF0] =	vst v27  }
0x188: {  	v27 =	vadd.s32 s12, v15;
	v28 =	vadd.s32 v2, v28;
	v19 =	vld.idx.msk [tilespmem:v19+s18+$0x0], $0xffff;
	[tilespmem:s30+$0x70] =	vst v24  }
0x189: {  	v24 =	vadd.s32 v2, v27;
	v27 =	vadd.s32 s3, v15;
	v20 =	vld.idx.msk [tilespmem:v20+s18+$0x0], $0xffff;
	[tilespmem:s30+$0xF0] =	vst v25  }
0x18a: {  	v25 =	vadd.s32 v2, v27;
	v27 =	vadd.s32 s7, v15;
	v22 =	vld.idx.msk [tilespmem:v22+s18+$0x0], $0xffff;
	[tilespmem:s30+$0x170] =	vst v18  }
0x18b: {  	v18 =	vadd.s32 v2, v27;
	v27 =	vadd.s32 s9, v15;
	v23 =	vld.idx.msk [tilespmem:v23+s18+$0x0], $0xffff;
	[tilespmem:s30+$0xFFFFFE70] =	vst v29;
	s30 =	sadd.s32 $0x400, s30  }
0x18c: {  	v27 =	vadd.s32 v2, v27;
	v29 =	vadd.s32 s5, v15;
	v26 =	vld.idx.msk [tilespmem:v26+s18+$0x0], $0xffff;
	[tilespmem:s30+$0x180] =	vst v30  }
0x18d: {  	[tilespmem:s30+$0xFFFFFE80] =	vst v21;
	v21 =	vadd.s32 v2, v29;
	v29 =	vadd.s32 s13, v15;
	v28 =	vld.idx.msk [tilespmem:v28+s18+$0x0], $0xffff  }
0x18e: {  	v24 =	vld.idx.msk [tilespmem:v24+s18+$0x0], $0xffff;
	[tilespmem:s30+$0xFFFFFF00] =	vst v19;
	v19 =	vadd.s32 v2, v29;
	v29 =	vadd.s32 s1, v14  }
0x18f: {  	v30 =	vadd.s32 s28, v15;
	v25 =	vld.idx.msk [tilespmem:v25+s18+$0x0], $0xffff;
	[tilespmem:s30+$0xFFFFFF80] =	vst v20;
	v20 =	vadd.s32 v3, v29  }
0x190: {  	v29 =	vadd.s32 v2, v30;
	v30 =	vadd.s32 s12, v14;
	v18 =	vld.idx.msk [tilespmem:v18+s18+$0x0], $0xffff;
	[tilespmem:s30+$0x0] =	vst v22  }
0x191: {  	v22 =	vadd.s32 v3, v30;
	v30 =	vadd.s32 s3, v14;
	v27 =	vld.idx.msk [tilespmem:v27+s18+$0x0], $0xffff;
	[tilespmem:s30+$0x80] =	vst v23  }
0x192: {  	v23 =	vadd.s32 v3, v30;
	v30 =	vadd.s32 s7, v14;
	v21 =	vld.idx.msk [tilespmem:v21+s18+$0x0], $0xffff;
	[tilespmem:s30+$0x100] =	vst v26  }
0x193: {  	v26 =	vadd.s32 v3, v30;
	v30 =	vadd.s32 s9, v14;
	v19 =	vld.idx.msk [tilespmem:v19+s18+$0x0], $0xffff;
	[tilespmem:s30+$0x190] =	vst v28  }
0x194: {  	v28 =	vadd.s32 s5, v14;
	[tilespmem:s30+$0xFFFFFE00] =	vst v17;
	v17 =	vadd.s32 v3, v30;
	v20 =	vld.idx.msk [tilespmem:v20+s18+$0x0], $0xffff  }
0x195: {  	v29 =	vld.idx.msk [tilespmem:v29+s18+$0x0], $0xffff;
	[tilespmem:s30+$0xFFFFFE90] =	vst v24;
	v24 =	vadd.s32 v3, v28;
	v28 =	vadd.s32 s1, v13  }
0x196: {  	v22 =	vld.idx.msk [tilespmem:v22+s18+$0x0], $0xffff;
	[tilespmem:s30+$0xFFFFFF10] =	vst v25;
	v25 =	vadd.s32 s13, v14;
	v28 =	vadd.s32 v4, v28  }
0x197: {  	v30 =	vadd.s32 s28, v14;
	v23 =	vld.idx.msk [tilespmem:v23+s18+$0x0], $0xffff;
	[tilespmem:s30+$0xFFFFFF90] =	vst v18;
	v18 =	vadd.s32 v3, v25  }
0x198: {  	v25 =	vadd.s32 v3, v30;
	v30 =	vadd.s32 s12, v13;
	v26 =	vld.idx.msk [tilespmem:v26+s18+$0x0], $0xffff;
	[tilespmem:s30+$0x10] =	vst v27  }
0x199: {  	v27 =	vadd.s32 v4, v30;
	v30 =	vadd.s32 s3, v13;
	v17 =	vld.idx.msk [tilespmem:v17+s18+$0x0], $0xffff;
	[tilespmem:s30+$0x90] =	vst v21  }
0x19a: {  	v21 =	vadd.s32 v4, v30;
	v30 =	vadd.s32 s7, v13;
	v24 =	vld.idx.msk [tilespmem:v24+s18+$0x0], $0xffff;
	[tilespmem:s30+$0x1A0] =	vst v20  }
0x19b: {  	v20 =	vadd.s32 v4, v30;
	v30 =	vadd.s32 s9, v13;
	[tilespmem:s30+$0x110] =	vst v19;
	v19 =	vld.idx.msk [tilespmem:v28+s18+$0x0], $0xffff  }
0x19c: {  	v28 =	vadd.s32 v4, v30;
	[tilespmem:s30+$0xFFFFFE10] =	vst v29;
	v18 =	vld.idx.msk [tilespmem:v18+s18+$0x0], $0xffff;
	v29 =	vadd.s32 s1, v12  }
0x19d: {  	v25 =	vld.idx.msk [tilespmem:v25+s18+$0x0], $0xffff;
	[tilespmem:s30+$0xFFFFFEA0] =	vst v22;
	v22 =	vadd.s32 s5, v13;
	v29 =	vadd.s32 v5, v29  }
0x19e: {  	v27 =	vld.idx.msk [tilespmem:v27+s18+$0x0], $0xffff;
	[tilespmem:s30+$0xFFFFFF20] =	vst v23;
	v22 =	vadd.s32 v4, v22;
	v23 =	vadd.s32 s13, v13  }
0x19f: {  	v30 =	vadd.s32 s28, v13;
	v21 =	vld.idx.msk [tilespmem:v21+s18+$0x0], $0xffff;
	[tilespmem:s30+$0xFFFFFFA0] =	vst v26;
	v23 =	vadd.s32 v4, v23  }
0x1a0: {  	v26 =	vadd.s32 v4, v30;
	v30 =	vadd.s32 s12, v12;
	v20 =	vld.idx.msk [tilespmem:v20+s18+$0x0], $0xffff;
	[tilespmem:s30+$0x20] =	vst v17  }
0x1a1: {  	v17 =	vadd.s32 v5, v30;
	v30 =	vadd.s32 s3, v12;
	v28 =	vld.idx.msk [tilespmem:v28+s18+$0x0], $0xffff;
	[tilespmem:s30+$0x1B0] =	vst v19  }
0x1a2: {  	v19 =	vadd.s32 v5, v30;
	v30 =	vadd.s32 s7, v12;
	[tilespmem:s30+$0xA0] =	vst v24;
	v24 =	vld.idx.msk [tilespmem:v29+s18+$0x0], $0xffff  }
0x1a3: {  	v29 =	vadd.s32 v5, v30;
	v22 =	vld.idx.msk [tilespmem:v22+s18+$0x0], $0xffff;
	[tilespmem:s30+$0x120] =	vst v18;
	v18 =	vadd.s32 s1, v11  }
0x1a4: {  	[tilespmem:s30+$0xFFFFFE20] =	vst v25;
	v25 =	vadd.s32 s9, v12;
	v23 =	vld.idx.msk [tilespmem:v23+s18+$0x0], $0xffff;
	v18 =	vadd.s32 v6, v18  }
0x1a5: {  	v26 =	vld.idx.msk [tilespmem:v26+s18+$0x0], $0xffff;
	[tilespmem:s30+$0xFFFFFEB0] =	vst v27;
	v25 =	vadd.s32 v5, v25;
	v27 =	vadd.s32 s5, v12  }
0x1a6: {  	v17 =	vld.idx.msk [tilespmem:v17+s18+$0x0], $0xffff;
	[tilespmem:s30+$0xFFFFFF30] =	vst v21;
	v21 =	vadd.s32 v5, v27;
	v27 =	vadd.s32 s13, v12  }
0x1a7: {  	v30 =	vadd.s32 s28, v12;
	v19 =	vld.idx.msk [tilespmem:v19+s18+$0x0], $0xffff;
	[tilespmem:s30+$0xFFFFFFB0] =	vst v20;
	v20 =	vadd.s32 v5, v27  }
0x1a8: {  	v27 =	vadd.s32 v5, v30;
	v30 =	vadd.s32 s12, v11;
	v29 =	vld.idx.msk [tilespmem:v29+s18+$0x0], $0xffff;
	[tilespmem:s30+$0x1C0] =	vst v24  }
0x1a9: {  	v24 =	vadd.s32 v6, v30;
	v30 =	vadd.s32 s3, v11;
	[tilespmem:s30+$0x30] =	vst v28;
	v18 =	vld.idx.msk [tilespmem:v18+s18+$0x0], $0xffff  }
0x1aa: {  	v28 =	vadd.s32 v6, v30;
	v25 =	vld.idx.msk [tilespmem:v25+s18+$0x0], $0xffff;
	[tilespmem:s30+$0xB0] =	vst v22;
	v22 =	vadd.s32 s1, v10  }
0x1ab: {  	v30 =	vadd.s32 s7, v11;
	v21 =	vld.idx.msk [tilespmem:v21+s18+$0x0], $0xffff;
	[tilespmem:s30+$0x130] =	vst v23;
	v22 =	vadd.s32 v7, v22  }
0x1ac: {  	v23 =	vadd.s32 v6, v30;
	[tilespmem:s30+$0xFFFFFE30] =	vst v26;
	v26 =	vadd.s32 s9, v11;
	v20 =	vld.idx.msk [tilespmem:v20+s18+$0x0], $0xffff  }
0x1ad: {  	v27 =	vld.idx.msk [tilespmem:v27+s18+$0x0], $0xffff;
	[tilespmem:s30+$0xFFFFFEC0] =	vst v17;
	v17 =	vadd.s32 v6, v26;
	v26 =	vadd.s32 s5, v11  }
0x1ae: {  	v24 =	vld.idx.msk [tilespmem:v24+s18+$0x0], $0xffff;
	[tilespmem:s30+$0xFFFFFF40] =	vst v19;
	v19 =	vadd.s32 v6, v26;
	v26 =	vadd.s32 s13, v11  }
0x1af: {  	v30 =	vadd.s32 s28, v11;
	v28 =	vld.idx.msk [tilespmem:v28+s18+$0x0], $0xffff;
	v26 =	vadd.s32 v6, v26;
	[tilespmem:s30+$0x1D0] =	vst v18  }
0x1b0: {  	v18 =	vadd.s32 v6, v30;
	v30 =	vadd.s32 s12, v10;
	[tilespmem:s30+$0xFFFFFFC0] =	vst v29;
	v22 =	vld.idx.msk [tilespmem:v22+s18+$0x0], $0xffff  }
0x1b1: {  	v29 =	vadd.s32 v7, v30;
	v23 =	vld.idx.msk [tilespmem:v23+s18+$0x0], $0xffff;
	[tilespmem:s30+$0x40] =	vst v25;
	v25 =	vadd.s32 s1, v9  }
0x1b2: {  	v30 =	vadd.s32 s3, v10;
	v17 =	vld.idx.msk [tilespmem:v17+s18+$0x0], $0xffff;
	[tilespmem:s30+$0xC0] =	vst v21;
	v21 =	vadd.s32 v8, v25  }
0x1b3: {  	v25 =	vadd.s32 v7, v30;
	v30 =	vadd.s32 s7, v10;
	v19 =	vld.idx.msk [tilespmem:v19+s18+$0x0], $0xffff;
	[tilespmem:s30+$0x140] =	vst v20  }
0x1b4: {  	v20 =	vadd.s32 v7, v30;
	[tilespmem:s30+$0xFFFFFE40] =	vst v27;
	v27 =	vadd.s32 s9, v10;
	v26 =	vld.idx.msk [tilespmem:v26+s18+$0x0], $0xffff  }
0x1b5: {  	v18 =	vld.idx.msk [tilespmem:v18+s18+$0x0], $0xffff;
	[tilespmem:s30+$0xFFFFFED0] =	vst v24;
	v24 =	vadd.s32 v7, v27;
	v27 =	vadd.s32 s5, v10  }
0x1b6: {  	v30 =	vadd.s32 s13, v10;
	v29 =	vld.idx.msk [tilespmem:v29+s18+$0x0], $0xffff;
	v27 =	vadd.s32 v7, v27;
	[tilespmem:s30+$0x1E0] =	vst v22  }
0x1b7: {  	v30 =	vadd.s32 v7, v30;
	v22 =	vadd.s32 s28, v10;
	[tilespmem:s30+$0xFFFFFF50] =	vst v28;
	v31 =	vld.idx.msk [tilespmem:v21+s18+$0x0], $0xffff  }
0x1b8: {  	v21 =	vadd.s32 s0, v16;
	v32 =	vadd.s32 v7, v22;
	v33 =	vld.idx.msk [tilespmem:v25+s18+$0x0], $0xffff;
	[tilespmem:s30+$0xFFFFFFD0] =	vst v23  }
0x1b9: {  	v23 =	vadd.s32 v0, v21;
	v21 =	vadd.s32 s12, v9;
	v22 =	vld.idx.msk [tilespmem:v20+s18+$0x0], $0xffff;
	[tilespmem:s30+$0x50] =	vst v17  }
0x1ba: {  	v34 =	vadd.s32 v8, v21;
	v17 =	vadd.s32 s3, v9;
	v21 =	vld.idx.msk [tilespmem:v24+s18+$0x0], $0xffff;
	[tilespmem:s30+$0xD0] =	vst v19  }
.Ltmp4:
0x1bb: {  	v28 =	vadd.s32 v8, v17;
	v17 =	vadd.s32 s7, v9;
	v19 =	vld.idx.msk [tilespmem:v27+s18+$0x0], $0xffff;
	[tilespmem:s30+$0x150] =	vst v26;
	(pc) =	sbr.rel @p0 .LBB2_9-.Ltmp4, $4  }
0x1bc: {  	v27 =	vadd.s32 v8, v17;
	v17 =	vadd.s32 s9, v9;
	[tilespmem:s30+$0xFFFFFE50] =	vst v18;
	v20 =	vld.idx.msk [tilespmem:v30+s18+$0x0], $0xffff  }
0x1bd: {  	v25 =	vadd.s32 s5, v9;
	v24 =	vadd.s32 v8, v17;
	v18 =	vld.idx.msk [tilespmem:v32+s18+$0x0], $0xffff;
	[tilespmem:s30+$0x1F0] =	vst v31  }
0x1be: {  	v25 =	vadd.s32 v8, v25;
	v26 =	vadd.s32 s13, v9;
	v17 =	vld.idx.msk [tilespmem:v23+s18+$0x0], $0xffff;
	[tilespmem:s30+$0xFFFFFEE0] =	vst v29  }
0x1bf: {  	s1 =	sadd.s32 $0x7, s0;
	v26 =	vadd.s32 v8, v26;
	v29 =	vadd.s32 s28, v9;
	s28 =	smov.u32 s0;
	s0 =	sadd.s32 $0x8, s0;
	v23 =	vld.idx.msk [tilespmem:v34+s18+$0x0], $0xffff;
	[tilespmem:s30+$0xFFFFFF60] =	vst v33  }
0x1c0: {  	_ =	sdelay $0x1  }
0x1c1: {  	[tilespmem:s30+$0xFFFFFFE0] =	vst v22  }
0x1c2: {  	[tilespmem:s30+$0x60] =	vst v21  }
0x1c3: {  	s0 =	sadd.s32 $0x1, s28;
	v42 =	vadd.s32 s1, v16;
	v29 =	vadd.s32 v8, v29;
	v28 =	vld.idx.msk [tilespmem:v28+s18+$0x0], $0xffff;
	[tilespmem:s30+$0xE0] =	vst v19  }
0x1c4: {  	s3 =	sadd.s32 $0x2, s28;
	v43 =	vadd.s32 s0, v16;
	v22 =	vadd.s32 v0, v42;
	v27 =	vld.idx.msk [tilespmem:v27+s18+$0x0], $0xffff;
	[tilespmem:s30+$0x160] =	vst v20  }
0x1c5: {  	s5 =	sadd.s32 $0x3, s28;
	s9 =	sadd.s32 $0x400, s30;
	v45 =	vadd.s32 s3, v16;
	v24 =	vld.idx.msk [tilespmem:v24+s18+$0x0], $0xffff;
	v44 =	vadd.s32 v0, v43;
	[tilespmem:s30+$0xFFFFFE60] =	vst v18  }
0x1c6: {  	s7 =	sadd.s32 $0x4, s28;
	s12 =	sadd.s32 $0x5, s28;
	v52 =	vadd.s32 s1, v15;
	v47 =	vadd.s32 s5, v16;
	v25 =	vld.idx.msk [tilespmem:v25+s18+$0x0], $0xffff;
	v46 =	vadd.s32 v0, v45;
	[tilespmem:s9+$0xFFFFFE00] =	vst v17  }
0x1c7: {  	s13 =	sadd.s32 $0x6, s28;
	v49 =	vadd.s32 s7, v16;
	v50 =	vadd.s32 s12, v16;
	v48 =	vadd.s32 v0, v47;
	v26 =	vld.idx.msk [tilespmem:v26+s18+$0x0], $0xffff;
	[tilespmem:s30+$0xFFFFFEF0] =	vst v23  }
0x1c8: {  	v51 =	vadd.s32 s13, v16;
	v54 =	vadd.s32 s0, v15;
	v21 =	vadd.s32 v0, v49;
	v29 =	vld.idx.msk [tilespmem:v29+s18+$0x0], $0xffff;
	[tilespmem:s30+$0xFFFFFF70] =	vst v28  }
0x1c9: {  	v55 =	vadd.s32 s3, v15;
	v56 =	vadd.s32 s5, v15;
	v16 =	vadd.s32 v0, v51;
	v22 =	vld.idx.msk [tilespmem:v22+s18+$0x0], $0xffff;
	[tilespmem:s30+$0xFFFFFFF0] =	vst v27  }
0x1ca: {  	v58 =	vadd.s32 s7, v15;
	v23 =	vadd.s32 v0, v50;
	v28 =	vadd.s32 s28, v15;
	[tilespmem:s30+$0x70] =	vst v24;
	v19 =	vld.idx.msk [tilespmem:v44+s18+$0x0], $0xffff  }
0x1cb: {  	v60 =	vadd.s32 s12, v15;
	v63 =	vadd.s32 s13, v15;
	[tilespmem:s30+$0xF0] =	vst v25;
	v15 =	vadd.s32 v2, v28;
	v20 =	vld.idx.msk [tilespmem:v46+s18+$0x0], $0xffff  }
0x1cc: {  	v53 =	vadd.s32 v2, v52;
	v18 =	vld.idx.msk [tilespmem:v48+s18+$0x0], $0xffff;
	[tilespmem:s30+$0x170] =	vst v26  }
0x1cd: {  	v25 =	vadd.s32 v2, v54;
	v21 =	vld.idx.msk [tilespmem:v21+s18+$0x0], $0xffff;
	[tilespmem:s30+$0xFFFFFE70] =	vst v29  }
0x1ce: {  	v26 =	vadd.s32 v2, v55;
	v16 =	vld.idx.msk [tilespmem:v16+s18+$0x0], $0xffff;
	[tilespmem:s9+$0x180] =	vst v22  }
0x1cf: {  	v57 =	vadd.s32 v2, v56;
	v23 =	vld.idx.msk [tilespmem:v23+s18+$0x0], $0xffff;
	[tilespmem:s9+$0xFFFFFE80] =	vst v19  }
0x1d0: {  	v62 =	vadd.s32 s1, v14;
	v40 =	vadd.s32 s28, v14;
	v59 =	vadd.s32 v2, v58;
	v15 =	vld.idx.msk [tilespmem:v15+s18+$0x0], $0xffff;
	[tilespmem:s9+$0xFFFFFF00] =	vst v20  }
0x1d1: {  	v30 =	vadd.s32 s0, v14;
	v32 =	vadd.s32 s3, v14;
	v61 =	vadd.s32 v2, v60;
	v24 =	vld.idx.msk [tilespmem:v53+s18+$0x0], $0xffff;
	[tilespmem:s9+$0xFFFFFF80] =	vst v18  }
0x1d2: {  	v33 =	vadd.s32 s5, v14;
	v35 =	vadd.s32 s7, v14;
	[tilespmem:s9+$0x0] =	vst v21;
	v18 =	vadd.s32 v2, v63;
	v25 =	vld.idx.msk [tilespmem:v25+s18+$0x0], $0xffff  }
0x1d3: {  	v38 =	vadd.s32 s12, v14;
	v39 =	vadd.s32 s13, v14;
	v14 =	vadd.s32 v3, v40;
	[tilespmem:s9+$0x100] =	vst v16;
	v29 =	vld.idx.msk [tilespmem:v26+s18+$0x0], $0xffff  }
0x1d4: {  	v27 =	vadd.s32 v3, v62;
	v22 =	vld.idx.msk [tilespmem:v57+s18+$0x0], $0xffff;
	[tilespmem:s9+$0x80] =	vst v23  }
0x1d5: {  	v31 =	vadd.s32 v3, v30;
	v19 =	vld.idx.msk [tilespmem:v59+s18+$0x0], $0xffff;
	[tilespmem:s9+$0xFFFFFE10] =	vst v15  }
0x1d6: {  	v23 =	vadd.s32 v3, v32;
	v20 =	vld.idx.msk [tilespmem:v61+s18+$0x0], $0xffff;
	[tilespmem:s9+$0x190] =	vst v24  }
0x1d7: {  	v34 =	vadd.s32 v3, v33;
	v18 =	vld.idx.msk [tilespmem:v18+s18+$0x0], $0xffff;
	[tilespmem:s9+$0xFFFFFE90] =	vst v25  }
0x1d8: {  	v37 =	vadd.s32 s1, v13;
	v42 =	vadd.s32 s0, v13;
	v21 =	vadd.s32 v3, v38;
	v14 =	vld.idx.msk [tilespmem:v14+s18+$0x0], $0xffff;
	[tilespmem:s9+$0xFFFFFF10] =	vst v29  }
0x1d9: {  	v52 =	vadd.s32 s13, v13;
	v43 =	vadd.s32 s3, v13;
	v24 =	vadd.s32 v3, v35;
	v36 =	vld.idx.msk [tilespmem:v27+s18+$0x0], $0xffff;
	[tilespmem:s9+$0xFFFFFF90] =	vst v22  }
0x1da: {  	v45 =	vadd.s32 s5, v13;
	v53 =	vadd.s32 s28, v13;
	[tilespmem:s9+$0x10] =	vst v19;
	v22 =	vadd.s32 v3, v39;
	v16 =	vld.idx.msk [tilespmem:v31+s18+$0x0], $0xffff  }
0x1db: {  	v49 =	vadd.s32 s7, v13;
	v50 =	vadd.s32 s12, v13;
	v13 =	vadd.s32 v4, v53;
	v41 =	vld.idx.msk [tilespmem:v23+s18+$0x0], $0xffff;
	[tilespmem:s9+$0x90] =	vst v20  }
0x1dc: {  	v25 =	vadd.s32 v4, v37;
	v17 =	vld.idx.msk [tilespmem:v34+s18+$0x0], $0xffff;
	[tilespmem:s9+$0x110] =	vst v18  }
0x1dd: {  	v20 =	vadd.s32 v4, v42;
	v46 =	vld.idx.msk [tilespmem:v21+s18+$0x0], $0xffff;
	[tilespmem:s9+$0xFFFFFE20] =	vst v14  }
0x1de: {  	v44 =	vadd.s32 v4, v43;
	v24 =	vld.idx.msk [tilespmem:v24+s18+$0x0], $0xffff;
	[tilespmem:s9+$0x1A0] =	vst v36  }
0x1df: {  	v56 =	vadd.s32 s3, v12;
	v60 =	vadd.s32 s7, v12;
	v47 =	vadd.s32 v4, v45;
	v22 =	vld.idx.msk [tilespmem:v22+s18+$0x0], $0xffff;
	[tilespmem:s9+$0xFFFFFEA0] =	vst v16  }
0x1e0: {  	v54 =	vadd.s32 s0, v12;
	v62 =	vadd.s32 s13, v12;
	v19 =	vadd.s32 v4, v50;
	v13 =	vld.idx.msk [tilespmem:v13+s18+$0x0], $0xffff;
	[tilespmem:s9+$0xFFFFFF20] =	vst v41  }
0x1e1: {  	v48 =	vadd.s32 s1, v12;
	v63 =	vadd.s32 s28, v12;
	v25 =	vld.idx.msk [tilespmem:v25+s18+$0x0], $0xffff;
	v16 =	vadd.s32 v4, v49;
	[tilespmem:s9+$0xFFFFFFA0] =	vst v17  }
0x1e2: {  	v59 =	vadd.s32 s5, v12;
	v61 =	vadd.s32 s12, v12;
	v12 =	vadd.s32 v5, v63;
	v51 =	vld.idx.msk [tilespmem:v20+s18+$0x0], $0xffff;
	[tilespmem:s9+$0xA0] =	vst v46  }
0x1e3: {  	v23 =	vadd.s32 v5, v48;
	v18 =	vld.idx.msk [tilespmem:v44+s18+$0x0], $0xffff;
	[tilespmem:s9+$0x20] =	vst v24  }
0x1e4: {  	v20 =	vadd.s32 v4, v52;
	v21 =	vld.idx.msk [tilespmem:v47+s18+$0x0], $0xffff;
	[tilespmem:s9+$0x120] =	vst v22  }
0x1e5: {  	v55 =	vadd.s32 v5, v54;
	v19 =	vld.idx.msk [tilespmem:v19+s18+$0x0], $0xffff;
	[tilespmem:s9+$0xFFFFFE30] =	vst v13  }
0x1e6: {  	v58 =	vadd.s32 s1, v11;
	v33 =	vadd.s32 s13, v11;
	v57 =	vadd.s32 v5, v56;
	[tilespmem:s9+$0x1B0] =	vst v25;
	v16 =	vld.idx.msk [tilespmem:v16+s18+$0x0], $0xffff  }
0x1e7: {  	v32 =	vadd.s32 s12, v11;
	v27 =	vadd.s32 s3, v11;
	v14 =	vadd.s32 v5, v59;
	v12 =	vld.idx.msk [tilespmem:v12+s18+$0x0], $0xffff;
	[tilespmem:s9+$0xFFFFFEB0] =	vst v51  }
0x1e8: {  	v29 =	vadd.s32 s5, v11;
	v31 =	vadd.s32 s7, v11;
	v17 =	vadd.s32 v5, v60;
	v23 =	vld.idx.msk [tilespmem:v23+s18+$0x0], $0xffff;
	[tilespmem:s9+$0xFFFFFF30] =	vst v18  }
0x1e9: {  	v25 =	vadd.s32 s0, v11;
	v11 =	vadd.s32 s28, v11;
	v20 =	vld.idx.msk [tilespmem:v20+s18+$0x0], $0xffff;
	[tilespmem:s9+$0xFFFFFFB0] =	vst v21;
	v18 =	vadd.s32 v5, v61  }
0x1ea: {  	v11 =	vadd.s32 v6, v11;
	v15 =	vld.idx.msk [tilespmem:v55+s18+$0x0], $0xffff;
	[tilespmem:s9+$0xB0] =	vst v19  }
0x1eb: {  	v24 =	vadd.s32 v6, v58;
	v22 =	vld.idx.msk [tilespmem:v57+s18+$0x0], $0xffff;
	[tilespmem:s9+$0x30] =	vst v16  }
0x1ec: {  	v21 =	vadd.s32 v5, v62;
	v14 =	vld.idx.msk [tilespmem:v14+s18+$0x0], $0xffff;
	[tilespmem:s9+$0xFFFFFE40] =	vst v12  }
0x1ed: {  	v28 =	vadd.s32 v6, v27;
	[tilespmem:s9+$0x1C0] =	vst v23;
	v17 =	vld.idx.msk [tilespmem:v17+s18+$0x0], $0xffff  }
0x1ee: {  	v45 =	vadd.s32 s13, v10;
	v43 =	vadd.s32 s12, v10;
	v30 =	vadd.s32 v6, v29;
	[tilespmem:s9+$0x130] =	vst v20;
	v18 =	vld.idx.msk [tilespmem:v18+s18+$0x0], $0xffff  }
0x1ef: {  	v26 =	vadd.s32 s1, v10;
	v37 =	vadd.s32 s3, v10;
	v16 =	vadd.s32 v6, v25;
	v11 =	vld.idx.msk [tilespmem:v11+s18+$0x0], $0xffff;
	[tilespmem:s9+$0xFFFFFEC0] =	vst v15  }
0x1f0: {  	v39 =	vadd.s32 s5, v10;
	v36 =	vadd.s32 s0, v10;
	v20 =	vadd.s32 v6, v31;
	v23 =	vld.idx.msk [tilespmem:v24+s18+$0x0], $0xffff;
	[tilespmem:s9+$0xFFFFFF40] =	vst v22  }
0x1f1: {  	v41 =	vadd.s32 s7, v10;
	v10 =	vadd.s32 s28, v10;
	v21 =	vld.idx.msk [tilespmem:v21+s18+$0x0], $0xffff;
	v22 =	vadd.s32 v6, v32;
	[tilespmem:s9+$0xFFFFFFC0] =	vst v14  }
0x1f2: {  	v10 =	vadd.s32 v7, v10;
	v13 =	vld.idx.msk [tilespmem:v28+s18+$0x0], $0xffff;
	[tilespmem:s9+$0x40] =	vst v17  }
0x1f3: {  	v19 =	vadd.s32 v7, v26;
	v15 =	vld.idx.msk [tilespmem:v30+s18+$0x0], $0xffff;
	[tilespmem:s9+$0xC0] =	vst v18  }
0x1f4: {  	v34 =	vadd.s32 v6, v33;
	v16 =	vld.idx.msk [tilespmem:v16+s18+$0x0], $0xffff;
	[tilespmem:s9+$0xFFFFFE50] =	vst v11  }
0x1f5: {  	v38 =	vadd.s32 v7, v37;
	[tilespmem:s9+$0x1D0] =	vst v23;
	v20 =	vld.idx.msk [tilespmem:v20+s18+$0x0], $0xffff  }
0x1f6: {  	v54 =	vadd.s32 s7, v9;
	v35 =	vadd.s32 s1, v9;
	v40 =	vadd.s32 v7, v39;
	[tilespmem:s9+$0x140] =	vst v21;
	v22 =	vld.idx.msk [tilespmem:v22+s18+$0x0], $0xffff  }
0x1f7: {  	v48 =	vadd.s32 s0, v9;
	v59 =	vadd.s32 s13, v9;
	v18 =	vadd.s32 v7, v36;
	v10 =	vld.idx.msk [tilespmem:v10+s18+$0x0], $0xffff;
	[tilespmem:s9+$0xFFFFFF50] =	vst v13  }
0x1f8: {  	v49 =	vadd.s32 s3, v9;
	v42 =	vadd.s32 v7, v41;
	v52 =	vadd.s32 s5, v9;
	v19 =	vld.idx.msk [tilespmem:v19+s18+$0x0], $0xffff;
	[tilespmem:s9+$0xFFFFFFD0] =	vst v15  }
0x1f9: {  	v44 =	vadd.s32 v7, v43;
	v57 =	vadd.s32 s12, v9;
	v9 =	vadd.s32 s28, v9;
	v14 =	vld.idx.msk [tilespmem:v34+s18+$0x0], $0xffff;
	[tilespmem:s9+$0xFFFFFED0] =	vst v16  }
0x1fa: {  	v9 =	vadd.s32 v8, v9;
	v12 =	vld.idx.msk [tilespmem:v38+s18+$0x0], $0xffff;
	[tilespmem:s9+$0x50] =	vst v20  }
0x1fb: {  	v17 =	vadd.s32 v8, v35;
	v16 =	vld.idx.msk [tilespmem:v40+s18+$0x0], $0xffff;
	[tilespmem:s9+$0xD0] =	vst v22  }
0x1fc: {  	v47 =	vadd.s32 v7, v45;
	v46 =	vld.idx.msk [tilespmem:v18+s18+$0x0], $0xffff;
	[tilespmem:s9+$0xFFFFFE60] =	vst v10  }
0x1fd: {  	v51 =	vadd.s32 v8, v49;
	[tilespmem:s9+$0x1E0] =	vst v19;
	v50 =	vld.idx.msk [tilespmem:v42+s18+$0x0], $0xffff  }
0x1fe: {  	v53 =	vadd.s32 v8, v52;
	[tilespmem:s9+$0x150] =	vst v14;
	v11 =	vld.idx.msk [tilespmem:v44+s18+$0x0], $0xffff  }
0x1ff: {  	v20 =	vadd.s32 v8, v48;
	v9 =	vld.idx.msk [tilespmem:v9+s18+$0x0], $0xffff;
	[tilespmem:s9+$0xFFFFFF60] =	vst v12  }
0x200: {  	v56 =	vadd.s32 v8, v54;
	v17 =	vld.idx.msk [tilespmem:v17+s18+$0x0], $0xffff;
	[tilespmem:s9+$0xFFFFFFE0] =	vst v16  }
0x201: {  	v58 =	vadd.s32 v8, v57;
	v55 =	vld.idx.msk [tilespmem:v47+s18+$0x0], $0xffff;
	[tilespmem:s9+$0xFFFFFEE0] =	vst v46  }
0x202: {  	v61 =	vadd.s32 v8, v59;
	v62 =	vld.idx.msk [tilespmem:v51+s18+$0x0], $0xffff;
	[tilespmem:s9+$0x60] =	vst v50  }
0x203: {  	v13 =	vld.idx.msk [tilespmem:v53+s18+$0x0], $0xffff;
	[tilespmem:s9+$0xE0] =	vst v11  }
0x204: {  	v60 =	vld.idx.msk [tilespmem:v20+s18+$0x0], $0xffff;
	[tilespmem:s9+$0xFFFFFE70] =	vst v9  }
0x205: {  	[tilespmem:s9+$0x1F0] =	vst v17;
	v11 =	vld.idx.msk [tilespmem:v56+s18+$0x0], $0xffff  }
0x206: {  	[tilespmem:s9+$0x160] =	vst v55;
	v63 =	vld.idx.msk [tilespmem:v58+s18+$0x0], $0xffff  }
0x207: {  	s26 =	sadd.s32 $0x1, s26;
	v10 =	vld.idx.msk [tilespmem:v61+s18+$0x0], $0xffff;
	[tilespmem:s9+$0xFFFFFF70] =	vst v62  }
0x208: {  	p0 =	sne.s32 s26, $0x19;
	[tilespmem:s9+$0xFFFFFFF0] =	vst v13  }
.Ltmp5:
0x209: {  	[tilespmem:s9+$0xFFFFFEF0] =	vst v60;
	(pc) =	sbr.rel @p0 .LBB2_2-.Ltmp5, $4  }
0x20a: {  	[tilespmem:s9+$0x70] =	vst v11  }
0x20b: {  	[tilespmem:s9+$0xF0] =	vst v63  }
0x20c: {  	s31 =	sadd.s32 s29, s8;
	[tilespmem:s9+$0x170] =	vst v10  }
0x20d: {  	[hbm4b:s31+s10] =	stream.strided.scatter [tilespmem:s23], [sflag:$0x4], $0x2000, s11, s10, $0x38;
	[tilespmem:$0xDE00] =	vst v63  }
0x20e: {  	_ =	swait.ge [sflag:s24], $0x2000  }
0x20f: {  	[sflag:s24] =	ssyncset.done $0x0  }
0x210: {  	[sflag:s24] =	ssyncadd.s32 $0xFFFFE000  }
0x211: {  	_ =	swait.ge [sflag:s22], $0x2000  }
0x212: {  	s25 =	sadd.s32 $0x1, s25;
	s0 =	rddreg [dreg:$0x6]  }
0x213: {  	p0 =	sne.s32 s25, s0  }
.Ltmp6:
0x214: {  	_ = 	snop;
	(pc) =	sbr.rel @p0 .LBB2_1-.Ltmp6, $3  }
0x215: {  	_ =	sdelay $0x1  }
0x216: {  	[sflag:s22] =	ssyncset.done $0x0  }
0x217: {  	[sflag:s22] =	ssyncadd.s32 $0xFFFFE000  }
0x218: {  	_ =	sfence.sel $0x180000  }
0x219: {  	[bflag:$0x0] =	sbarrier.arrive $0xFFFF  }
0x21a: {  	_ =	strace $0x90000047  }
0x21b: {  	s0 =	stileid.u32;
	[bflag:$0x2] =	sbarrier.arrive $0xFFFF  }
0x21c: {  	p0 =	sne.s32 s0, $0x0;
	s0 =	rddreg [dreg:$0x3]  }
0x21d: {  	s0 =	sadd.s32 @!p0 $0x100000, s0  }
0x21e: {  	[sflag:s0] =	ssyncadd.tile.s32 @!p0 $0x1;
	_ =	shalt  }
.Lfunc_end2:
_tile_overlayer_lowered:
.L_overlay_start_2:
0x21f: {  	(tag) =	ssettag $0x2  }
0x220: {  	s0 =	rddreg [dreg:$0x0];
	s2 =	stileid.u32  }
0x221: {  	s1 =	rddreg [dreg:$0x1];
	p0 =	sne.s32 s2, $0x0  }
0x222: {  	s3 =	rddreg [dreg:$0x2];
	[bflag:$0x3] =	sbarrier.arrive $0xFFFF;
	s2 =	simm.s32 @!p0 $0x1C06  }
0x223: {  	[timem:s3], [sflag:s2] =	dma.local @!p0 [hbm:s0], s1  }
0x224: {  	s0 =	simm.s32 @!p0 $0x6  }
0x225: {  	_ =	swait.ge @!p0 [sflag:s0], s1  }
0x226: {  	s1 =	ssub.s32 @!p0 $0x0, s1;
	[sflag:s0] =	ssyncset.done @!p0 $0x0  }
0x227: {  	[sflag:s0] =	ssyncadd.s32 @!p0 s1  }
0x228: {  	[bflag:$0x3] =	sbarrier.arrive $0xFFFF  }
0x229: {  	_ =	shalt  }

</sc_bundles>
